<compile_context>
chip_gen: v7x
topology: tpu7x:2x2x1
jax: 0.10.2.dev20260603
libtpu: 0.0.44.dev20260713+nightly
codegen_flags: <defaults>
</compile_context>

<pallas_src>
import functools
import jax
import jax.numpy as jnp
from jax import lax
from jax.experimental import pallas as pl
from jax.experimental.pallas import tpu as pltpu
from jax.experimental.pallas import tpu_sc as plsc

D = 64
SCALE = 8.0
L = 16

_info = plsc.get_sparse_core_info()
NC, NS = _info.num_cores, _info.num_subcores
NW = NC * NS

_mesh = plsc.VectorSubcoreMesh(core_axis_name="c", subcore_axis_name="s")
_params = pltpu.CompilerParams(needs_layout_passes=False)


def _make_gather(S, B, V):
    BW = B // NW
    assert BW % L == 0
    NCH = BW // L

    @functools.partial(
        pl.kernel, mesh=_mesh,
        out_type=jax.ShapeDtypeStruct((S, D, B), jnp.float32),
        compiler_params=_params,
        scratch_types=[
            pltpu.VMEM((S, BW), jnp.int32),
            pltpu.VMEM((S, BW), jnp.int32),
            pltpu.VMEM((2, BW, 2 * D), jnp.float32),
            pltpu.VMEM((2, D, BW), jnp.float32),
            pltpu.SemaphoreType.DMA,
            pltpu.SemaphoreType.DMA,
            pltpu.SemaphoreType.DMA,
            pltpu.SemaphoreType.DMA,
        ],
    )
    def _gt(xT_hbm, tab_hbm, out_hbm, idx_v, pidx_v, rows_v, outs_v,
            g0, g1, o0, o1):
        gsem = [g0, g1]
        osem = [o0, o1]
        wid = lax.axis_index("s") * NC + lax.axis_index("c")
        b0 = wid * BW
        lanes = lax.broadcasted_iota(jnp.int32, (L,), 0)

        pltpu.sync_copy(xT_hbm.at[:, pl.ds(b0, BW)], idx_v)

        def mk_pairs(i, _):
            s = i // NCH
            q = i % NCH
            v = idx_v[s, pl.ds(q * L, L)]
            pidx_v[s, pl.ds(q * L, L)] = jax.lax.shift_right_logical(v, 1)
            return 0

        lax.fori_loop(0, S * NCH, mk_pairs, 0)

        def g_desc(s, b):
            return pltpu.make_async_copy(
                tab_hbm.at[pidx_v.at[s]], rows_v.at[b], gsem[b])

        def o_desc(s, b):
            return pltpu.make_async_copy(
                outs_v.at[b], out_hbm.at[s, :, pl.ds(b0, BW)], osem[b])

        def select(s, b):
            cbs = []
            for c in range(NCH):
                iv = idx_v[s, pl.ds(c * L, L)]
                cbs.append(jnp.bitwise_and(iv, 1) * D)
            bvec = jnp.full((L,), b, jnp.int32)

            def erow(e, _):
                for c in range(NCH):
                    vals = plsc.load_gather(
                        rows_v, [bvec, c * L + lanes, cbs[c] + e])
                    outs_v[b, e, pl.ds(c * L, L)] = vals
                return 0
            lax.fori_loop(0, D, erow, 0)

        g_desc(0, 0).start()

        def outer(o, _):
            for b in range(2):
                s = o * 2 + b
                nb = 1 - b
                @pl.when(s + 1 < S)
                def _():
                    @pl.when(s >= 1)
                    def _():
                        o_desc(s - 1, nb).wait()
                    g_desc(s + 1, nb).start()

                g_desc(s, b).wait()
                select(s, b)
                o_desc(s, b).start()
            return 0

        lax.fori_loop(0, S // 2, outer, 0)
        o_desc(S - 2, 0).wait()
        o_desc(S - 1, 1).wait()

    return _gt


def kernel(x, table):
    B, S = x.shape
    V = table.shape[0]
    xT = x.T.astype(jnp.int32)
    tab2 = (table * SCALE).reshape(V // 2, 2 * D)
    out = _make_gather(S, B, V)(xT, tab2)
    return jnp.transpose(out, (2, 0, 1))

# --- scband reference (transcript-rebuilt; emitter-appended) ---
"""Pipeline reference for scband-input-embedding-44306882626058 (READ-ONLY COPY).

The authoritative reference and input builder live on the scoring server;
editing this copy changes nothing except your own understanding.
"""

import jax, jax.numpy as jnp
import numpy as np
import math

VOCAB = 1000000
EMBED_DIM = 64

def setup_inputs(seed: int = 0) -> dict:
    key = jax.random.key(seed)
    k1, k2 = jax.random.split(key)
    x = jax.random.randint(k1, (4096, 200), 0, VOCAB, dtype=jnp.int64 if jax.config.read('jax_enable_x64') else jnp.int32)
    table = jax.random.normal(k2, (VOCAB, EMBED_DIM), dtype=jnp.float32)
    return {"x": x, "table": table}

def reference(x, table):
    # nn.Embedding lookup followed by scaling with sqrt(d_model)
    out = jnp.take(table, x, axis=0) * math.sqrt(EMBED_DIM)
    return out

if __name__ == "__main__":
    import jax
    _d = setup_inputs()
    print(jax.jit(kernel)(*tuple(_d.values())))

</pallas_src>

<mosaic_0001>
#map = affine_map<(d0, d1) -> (0, 0)>
#map1 = affine_map<(d0, d1) -> (0, 0, 0)>
module attributes {stable_mosaic.version = 14 : i64} {
  func.func @_gt(%arg0: i32, %arg1: i32, %arg2: memref<200x4096xi32, #tpu.memory_space<hbm>>, %arg3: memref<500000x128xf32, #tpu.memory_space<hbm>>, %arg4: memref<200x64x4096xf32, #tpu.memory_space<hbm>>, %arg5: memref<200x128xi32, #tpu.memory_space<vmem>>, %arg6: memref<200x128xi32, #tpu.memory_space<vmem>>, %arg7: memref<2x128x128xf32, #tpu.memory_space<vmem>>, %arg8: memref<2x64x128xf32, #tpu.memory_space<vmem>>, %arg9: memref<!tpu.dma_semaphore, #tpu.memory_space<semaphore_mem>>, %arg10: memref<!tpu.dma_semaphore, #tpu.memory_space<semaphore_mem>>, %arg11: memref<!tpu.dma_semaphore, #tpu.memory_space<semaphore_mem>>, %arg12: memref<!tpu.dma_semaphore, #tpu.memory_space<semaphore_mem>>) attributes {dimension_semantics = [#tpu.dimension_semantics<core_parallel>, #tpu.dimension_semantics<subcore_parallel>], iteration_bounds = array<i64: 2, 16>, scalar_prefetch = 0 : i64, scratch_operands = 8 : i64, tpu.core_type = #tpu.core_type<sc_vector_subcore>, window_params = [{transform_indices = #map}, {transform_indices = #map}, {transform_indices = #map1}]} {
    %mul3A = arith.constant 2 : i32
    %mul3A_0 = arith.muli %arg1, %mul3A : i32
    %add3A = arith.addi %mul3A_0, %arg0 : i32
    %mul3A_1 = arith.constant 128 : i32
    %mul3A_2 = arith.muli %add3A, %mul3A_1 : i32
    %iota3A = tpu.iota {dimensions = array<i32: 0>} : vector<16xi32>
    "tpu.region"() ({
      %run_scoped3A = tpu.sem_alloc : memref<!tpu.dma_semaphore, #tpu.memory_space<semaphore_mem>>
      %dma_start3A_58 = arith.constant 0 : i32
      %dma_start3A_59 = tpu.memref_slice %arg2[%dma_start3A_58, %mul3A_2] : memref<200x4096xi32, #tpu.memory_space<hbm>> -> memref<200x128xi32, #tpu.memory_space<hbm>>
      %dma_start3A_60 = arith.constant 0 : i32
      %dma_start3A_61 = tpu.memref_slice %arg2[%dma_start3A_60, %mul3A_2] : memref<200x4096xi32, #tpu.memory_space<hbm>> -> memref<200x128xi32, #tpu.memory_space<hbm>>
      tpu.enqueue_dma source(%dma_start3A_61 : memref<200x128xi32, #tpu.memory_space<hbm>>) target(%arg5 : memref<200x128xi32, #tpu.memory_space<vmem>>) target_semaphore(%run_scoped3A : memref<!tpu.dma_semaphore, #tpu.memory_space<semaphore_mem>>)
      %dma_wait3A_62 = arith.constant 0 : i32
      %dma_wait3A_63 = tpu.memref_slice %arg2[%dma_wait3A_62, %mul3A_2] : memref<200x4096xi32, #tpu.memory_space<hbm>> -> memref<200x128xi32, #tpu.memory_space<hbm>>
      %dma_wait3A_64 = arith.constant 0 : i32
      %dma_wait3A_65 = tpu.memref_slice %arg2[%dma_wait3A_64, %mul3A_2] : memref<200x4096xi32, #tpu.memory_space<hbm>> -> memref<200x128xi32, #tpu.memory_space<hbm>>
      tpu.wait_dma2 semaphore(%run_scoped3A : memref<!tpu.dma_semaphore, #tpu.memory_space<semaphore_mem>>) src(%dma_wait3A_65 : memref<200x128xi32, #tpu.memory_space<hbm>>) dst(%arg5 : memref<200x128xi32, #tpu.memory_space<vmem>>)
      tpu.yield
    }) : () -> ()
    %scan3A = arith.constant 0 : i32
    %scan3A_3 = arith.constant 0 : i32
    %scan3A_4 = arith.constant 1600 : i32
    %scan3A_5 = arith.addi %scan3A_3, %scan3A_4 : i32
    %scan3A_6 = arith.constant 1 : i32
    %scan3A_7 = scf.for %scan3A_58 = %scan3A_3 to %scan3A_5 step %scan3A_6 iter_args(%scan3A_59 = %scan3A) -> (i32)  : i32 {
      %jit3A = arith.constant 8 : i32
      %div3A = arith.divsi %scan3A_58, %jit3A : i32
      %sign3A = arith.constant 0 : i32
      %sign3A_60 = arith.cmpi sgt, %scan3A_58, %sign3A : i32
      %sign3A_61 = arith.extui %sign3A_60 : i1 to i32
      %sign3A_62 = arith.constant 0 : i32
      %sign3A_63 = arith.cmpi slt, %scan3A_58, %sign3A_62 : i32
      %sign3A_64 = arith.extui %sign3A_63 : i1 to i32
      %sign3A_65 = arith.subi %sign3A_61, %sign3A_64 : i32
      %sign3A_66 = arith.constant 0 : i32
      %sign3A_67 = arith.cmpi sgt, %jit3A, %sign3A_66 : i32
      %sign3A_68 = arith.extui %sign3A_67 : i1 to i32
      %sign3A_69 = arith.constant 0 : i32
      %sign3A_70 = arith.cmpi slt, %jit3A, %sign3A_69 : i32
      %sign3A_71 = arith.extui %sign3A_70 : i1 to i32
      %sign3A_72 = arith.subi %sign3A_68, %sign3A_71 : i32
      %ne3A = arith.cmpi ne, %sign3A_65, %sign3A_72 : i32
      %rem3A = arith.remsi %scan3A_58, %jit3A : i32
      %ne3A_73 = arith.constant 0 : i32
      %ne3A_74 = arith.cmpi ne, %rem3A, %ne3A_73 : i32
      %and3A = arith.andi %ne3A, %ne3A_74 : i1
      %sub3A = arith.constant 1 : i32
      %sub3A_75 = arith.subi %div3A, %sub3A : i32
      %select_n3A = arith.select %and3A, %sub3A_75, %div3A : i32
      %jit3A_76 = arith.constant 8 : i32
      %eq3A = arith.constant 0 : i32
      %eq3A_77 = arith.cmpi eq, %jit3A_76, %eq3A : i32
      %jit3A_78 = arith.constant 1 : i32
      %select_n3A_79 = arith.select %eq3A_77, %jit3A_78, %jit3A_76 : i32
      %rem3A_80 = arith.remsi %scan3A_58, %select_n3A_79 : i32
      %ne3A_81 = arith.constant 0 : i32
      %ne3A_82 = arith.cmpi ne, %rem3A_80, %ne3A_81 : i32
      %lt3A = arith.constant 0 : i32
      %lt3A_83 = arith.cmpi slt, %rem3A_80, %lt3A : i32
      %lt3A_84 = arith.constant 0 : i32
      %lt3A_85 = arith.cmpi slt, %select_n3A_79, %lt3A_84 : i32
      %ne3A_86 = arith.xori %lt3A_83, %lt3A_85 : i1
      %and3A_87 = arith.andi %ne3A_86, %ne3A_82 : i1
      %add3A_88 = arith.addi %rem3A_80, %select_n3A_79 : i32
      %select_n3A_89 = arith.select %and3A_87, %add3A_88, %rem3A_80 : i32
      %mul3A_90 = arith.constant 16 : i32
      %mul3A_91 = arith.muli %select_n3A_89, %mul3A_90 : i32
      %get3A = arith.index_cast %select_n3A : i32 to index
      %get3A_92 = arith.index_cast %mul3A_91 : i32 to index
      %get3A_93 = tpu.vector_load %arg5[%get3A, %get3A_92] {strides = array<i32>} : memref<200x128xi32, #tpu.memory_space<vmem>>, vector<16xi32>,
      %shift_right_logical3A = arith.constant 1 : i32
      %shift_right_logical3A_94 = vector.broadcast %shift_right_logical3A : i32 to vector<16xi32>
      %shift_right_logical3A_95 = arith.shrui %get3A_93, %shift_right_logical3A_94 : vector<16xi32>
      %mul3A_96 = arith.constant 16 : i32
      %mul3A_97 = arith.muli %select_n3A_89, %mul3A_96 : i32
      %swap3A = arith.index_cast %select_n3A : i32 to index
      %swap3A_98 = arith.index_cast %mul3A_97 : i32 to index
      %swap3A_99 = tpu.vector_load %arg6[%swap3A, %swap3A_98] {strides = array<i32>} : memref<200x128xi32, #tpu.memory_space<vmem>>, vector<16xi32>,
      tpu.vector_store %arg6[%swap3A, %swap3A_98], %shift_right_logical3A_95 {strides = array<i32>} : memref<200x128xi32, #tpu.memory_space<vmem>>, vector<16xi32>,
      %scan3A_100 = arith.constant 0 : i32
      scf.yield %scan3A_100 : i32
    }
    %scan3A_8 = arith.constant 1600 : i32
    %dma_start3A = arith.constant 0 : i32
    %dma_start3A_9 = arith.constant 0 : i32
    %dma_start3A_10 = arith.constant 0 : i32
    %dma_start3A_11 = arith.constant 0 : i32
    %dma_start3A_12 = tpu.memref_slice %arg7[%dma_start3A_9, %dma_start3A_10, %dma_start3A_11] : memref<2x128x128xf32, #tpu.memory_space<vmem>> -> memref<1x128x128xf32, #tpu.memory_space<vmem>>
    %dma_start3A_13 = tpu.memref_squeeze %dma_start3A_12 : memref<1x128x128xf32, #tpu.memory_space<vmem>> -> memref<128x128xf32, #tpu.memory_space<vmem>>
    %dma_start3A_14 = arith.constant 0 : i32
    %dma_start3A_15 = tpu.memref_slice %arg6[%dma_start3A, %dma_start3A_14] : memref<200x128xi32, #tpu.memory_space<vmem>> -> memref<1x128xi32, #tpu.memory_space<vmem>>
    %dma_start3A_16 = tpu.memref_squeeze %dma_start3A_15 : memref<1x128xi32, #tpu.memory_space<vmem>> -> memref<128xi32, #tpu.memory_space<vmem>>
    %dma_start3A_17 = arith.constant 0 : i32
    %dma_start3A_18 = arith.constant 0 : i32
    %dma_start3A_19 = tpu.memref_slice %arg3[%dma_start3A_17, %dma_start3A_18] : memref<500000x128xf32, #tpu.memory_space<hbm>> -> memref<500000x128xf32, #tpu.memory_space<hbm>>
    tpu.enqueue_indirect_dma source(%dma_start3A_19 : memref<500000x128xf32, #tpu.memory_space<hbm>>) target(%dma_start3A_13 : memref<128x128xf32, #tpu.memory_space<vmem>>) offsets(%dma_start3A_16 : memref<128xi32, #tpu.memory_space<vmem>>) semaphore(%arg9 : memref<!tpu.dma_semaphore, #tpu.memory_space<semaphore_mem>>)
    %scan3A_20 = arith.constant 0 : i32
    %scan3A_21 = arith.constant 0 : i32
    %scan3A_22 = arith.constant 100 : i32
    %scan3A_23 = arith.addi %scan3A_21, %scan3A_22 : i32
    %scan3A_24 = arith.constant 1 : i32
    %scan3A_25 = scf.for %scan3A_58 = %scan3A_21 to %scan3A_23 step %scan3A_24 iter_args(%scan3A_59 = %scan3A_20) -> (i32)  : i32 {
      %mul3A_60 = arith.constant 2 : i32
      %mul3A_61 = arith.muli %scan3A_58, %mul3A_60 : i32
      %add3A_62 = arith.constant 0 : i32
      %add3A_63 = arith.addi %mul3A_61, %add3A_62 : i32
      %add3A_64 = arith.constant 1 : i32
      %add3A_65 = arith.addi %add3A_63, %add3A_64 : i32
      %lt3A = arith.constant 200 : i32
      %lt3A_66 = arith.cmpi slt, %add3A_65, %lt3A : i32
      %convert_element_type3A = arith.extui %lt3A_66 : i1 to i32
      %cond3A = arith.constant 0 : i32
      %cond3A_67 = arith.cmpi ne, %convert_element_type3A, %cond3A : i32
      scf.if %cond3A_67 {
        %ge3A = arith.constant 1 : i32
        %ge3A_291 = arith.cmpi sge, %add3A_63, %ge3A : i32
        %convert_element_type3A_292 = arith.extui %ge3A_291 : i1 to i32
        %cond3A_293 = arith.constant 0 : i32
        %cond3A_294 = arith.cmpi ne, %convert_element_type3A_292, %cond3A_293 : i32
        scf.if %cond3A_294 {
          %sub3A = arith.constant 1 : i32
          %sub3A_308 = arith.subi %add3A_63, %sub3A : i32
          %dma_wait3A_309 = arith.constant 1 : i32
          %dma_wait3A_310 = arith.constant 0 : i32
          %dma_wait3A_311 = arith.constant 0 : i32
          %dma_wait3A_312 = tpu.memref_slice %arg8[%dma_wait3A_309, %dma_wait3A_310, %dma_wait3A_311] : memref<2x64x128xf32, #tpu.memory_space<vmem>> -> memref<1x64x128xf32, #tpu.memory_space<vmem>>
          %dma_wait3A_313 = tpu.memref_squeeze %dma_wait3A_312 : memref<1x64x128xf32, #tpu.memory_space<vmem>> -> memref<64x128xf32, #tpu.memory_space<vmem>>
          %dma_wait3A_314 = arith.constant 0 : i32
          %dma_wait3A_315 = tpu.memref_slice %arg4[%sub3A_308, %dma_wait3A_314, %mul3A_2] : memref<200x64x4096xf32, #tpu.memory_space<hbm>> -> memref<1x64x128xf32, #tpu.memory_space<hbm>>
          %dma_wait3A_316 = tpu.memref_squeeze %dma_wait3A_315 : memref<1x64x128xf32, #tpu.memory_space<hbm>> -> memref<64x128xf32, #tpu.memory_space<hbm>>
          %dma_wait3A_317 = arith.constant 0 : i32
          %dma_wait3A_318 = tpu.memref_slice %arg4[%sub3A_308, %dma_wait3A_317, %mul3A_2] : memref<200x64x4096xf32, #tpu.memory_space<hbm>> -> memref<1x64x128xf32, #tpu.memory_space<hbm>>
          %dma_wait3A_319 = tpu.memref_squeeze %dma_wait3A_318 : memref<1x64x128xf32, #tpu.memory_space<hbm>> -> memref<64x128xf32, #tpu.memory_space<hbm>>
          %dma_wait3A_320 = arith.constant 0 : i32
          %dma_wait3A_321 = arith.constant 0 : i32
          %dma_wait3A_322 = tpu.memref_slice %arg8[%dma_wait3A_309, %dma_wait3A_320, %dma_wait3A_321] : memref<2x64x128xf32, #tpu.memory_space<vmem>> -> memref<1x64x128xf32, #tpu.memory_space<vmem>>
          %dma_wait3A_323 = tpu.memref_squeeze %dma_wait3A_322 : memref<1x64x128xf32, #tpu.memory_space<vmem>> -> memref<64x128xf32, #tpu.memory_space<vmem>>
          tpu.wait_dma2 semaphore(%arg12 : memref<!tpu.dma_semaphore, #tpu.memory_space<semaphore_mem>>) src(%dma_wait3A_323 : memref<64x128xf32, #tpu.memory_space<vmem>>) dst(%dma_wait3A_319 : memref<64x128xf32, #tpu.memory_space<hbm>>)
        } else {
        }
        %add3A_295 = arith.constant 1 : i32
        %add3A_296 = arith.addi %add3A_63, %add3A_295 : i32
        %dma_start3A_297 = arith.constant 1 : i32
        %dma_start3A_298 = arith.constant 0 : i32
        %dma_start3A_299 = arith.constant 0 : i32
        %dma_start3A_300 = tpu.memref_slice %arg7[%dma_start3A_297, %dma_start3A_298, %dma_start3A_299] : memref<2x128x128xf32, #tpu.memory_space<vmem>> -> memref<1x128x128xf32, #tpu.memory_space<vmem>>
        %dma_start3A_301 = tpu.memref_squeeze %dma_start3A_300 : memref<1x128x128xf32, #tpu.memory_space<vmem>> -> memref<128x128xf32, #tpu.memory_space<vmem>>
        %dma_start3A_302 = arith.constant 0 : i32
        %dma_start3A_303 = tpu.memref_slice %arg6[%add3A_296, %dma_start3A_302] : memref<200x128xi32, #tpu.memory_space<vmem>> -> memref<1x128xi32, #tpu.memory_space<vmem>>
        %dma_start3A_304 = tpu.memref_squeeze %dma_start3A_303 : memref<1x128xi32, #tpu.memory_space<vmem>> -> memref<128xi32, #tpu.memory_space<vmem>>
        %dma_start3A_305 = arith.constant 0 : i32
        %dma_start3A_306 = arith.constant 0 : i32
        %dma_start3A_307 = tpu.memref_slice %arg3[%dma_start3A_305, %dma_start3A_306] : memref<500000x128xf32, #tpu.memory_space<hbm>> -> memref<500000x128xf32, #tpu.memory_space<hbm>>
        tpu.enqueue_indirect_dma source(%dma_start3A_307 : memref<500000x128xf32, #tpu.memory_space<hbm>>) target(%dma_start3A_301 : memref<128x128xf32, #tpu.memory_space<vmem>>) offsets(%dma_start3A_304 : memref<128xi32, #tpu.memory_space<vmem>>) semaphore(%arg10 : memref<!tpu.dma_semaphore, #tpu.memory_space<semaphore_mem>>)
      } else {
      }
      %dma_wait3A_68 = arith.constant 0 : i32
      %dma_wait3A_69 = arith.constant 0 : i32
      %dma_wait3A_70 = arith.constant 0 : i32
      %dma_wait3A_71 = tpu.memref_slice %arg7[%dma_wait3A_68, %dma_wait3A_69, %dma_wait3A_70] : memref<2x128x128xf32, #tpu.memory_space<vmem>> -> memref<1x128x128xf32, #tpu.memory_space<vmem>>
      %dma_wait3A_72 = tpu.memref_squeeze %dma_wait3A_71 : memref<1x128x128xf32, #tpu.memory_space<vmem>> -> memref<128x128xf32, #tpu.memory_space<vmem>>
      %dma_wait3A_73 = arith.constant 0 : i32
      %dma_wait3A_74 = tpu.memref_slice %arg6[%add3A_63, %dma_wait3A_73] : memref<200x128xi32, #tpu.memory_space<vmem>> -> memref<1x128xi32, #tpu.memory_space<vmem>>
      %dma_wait3A_75 = tpu.memref_squeeze %dma_wait3A_74 : memref<1x128xi32, #tpu.memory_space<vmem>> -> memref<128xi32, #tpu.memory_space<vmem>>
      %dma_wait3A_76 = arith.constant 0 : i32
      %dma_wait3A_77 = arith.constant 0 : i32
      %dma_wait3A_78 = tpu.memref_slice %arg3[%dma_wait3A_76, %dma_wait3A_77] : memref<500000x128xf32, #tpu.memory_space<hbm>> -> memref<500000x128xf32, #tpu.memory_space<hbm>>
      tpu.wait_indirect_dma semaphore(%arg9 : memref<!tpu.dma_semaphore, #tpu.memory_space<semaphore_mem>>) src(%dma_wait3A_78 : memref<500000x128xf32, #tpu.memory_space<hbm>>) dst(%dma_wait3A_72 : memref<128x128xf32, #tpu.memory_space<vmem>>)
      %get3A = arith.index_cast %add3A_63 : i32 to index
      %get3A_79 = arith.constant 0 : index
      %get3A_80 = tpu.vector_load %arg5[%get3A, %get3A_79] {strides = array<i32>} : memref<200x128xi32, #tpu.memory_space<vmem>>, vector<16xi32>,
      %and3A = arith.constant 1 : i32
      %and3A_81 = vector.broadcast %and3A : i32 to vector<16xi32>
      %and3A_82 = arith.andi %get3A_80, %and3A_81 : vector<16xi32>
      %mul3A_83 = arith.constant 64 : i32
      %mul3A_84 = vector.broadcast %mul3A_83 : i32 to vector<16xi32>
      %mul3A_85 = arith.muli %and3A_82, %mul3A_84 : vector<16xi32>
      %get3A_86 = arith.index_cast %add3A_63 : i32 to index
      %get3A_87 = arith.constant 16 : index
      %get3A_88 = tpu.vector_load %arg5[%get3A_86, %get3A_87] {strides = array<i32>} : memref<200x128xi32, #tpu.memory_space<vmem>>, vector<16xi32>,
      %and3A_89 = arith.constant 1 : i32
      %and3A_90 = vector.broadcast %and3A_89 : i32 to vector<16xi32>
      %and3A_91 = arith.andi %get3A_88, %and3A_90 : vector<16xi32>
      %mul3A_92 = arith.constant 64 : i32
      %mul3A_93 = vector.broadcast %mul3A_92 : i32 to vector<16xi32>
      %mul3A_94 = arith.muli %and3A_91, %mul3A_93 : vector<16xi32>
      %get3A_95 = arith.index_cast %add3A_63 : i32 to index
      %get3A_96 = arith.constant 32 : index
      %get3A_97 = tpu.vector_load %arg5[%get3A_95, %get3A_96] {strides = array<i32>} : memref<200x128xi32, #tpu.memory_space<vmem>>, vector<16xi32>,
      %and3A_98 = arith.constant 1 : i32
      %and3A_99 = vector.broadcast %and3A_98 : i32 to vector<16xi32>
      %and3A_100 = arith.andi %get3A_97, %and3A_99 : vector<16xi32>
      %mul3A_101 = arith.constant 64 : i32
      %mul3A_102 = vector.broadcast %mul3A_101 : i32 to vector<16xi32>
      %mul3A_103 = arith.muli %and3A_100, %mul3A_102 : vector<16xi32>
      %get3A_104 = arith.index_cast %add3A_63 : i32 to index
      %get3A_105 = arith.constant 48 : index
      %get3A_106 = tpu.vector_load %arg5[%get3A_104, %get3A_105] {strides = array<i32>} : memref<200x128xi32, #tpu.memory_space<vmem>>, vector<16xi32>,
      %and3A_107 = arith.constant 1 : i32
      %and3A_108 = vector.broadcast %and3A_107 : i32 to vector<16xi32>
      %and3A_109 = arith.andi %get3A_106, %and3A_108 : vector<16xi32>
      %mul3A_110 = arith.constant 64 : i32
      %mul3A_111 = vector.broadcast %mul3A_110 : i32 to vector<16xi32>
      %mul3A_112 = arith.muli %and3A_109, %mul3A_111 : vector<16xi32>
      %get3A_113 = arith.index_cast %add3A_63 : i32 to index
      %get3A_114 = arith.constant 64 : index
      %get3A_115 = tpu.vector_load %arg5[%get3A_113, %get3A_114] {strides = array<i32>} : memref<200x128xi32, #tpu.memory_space<vmem>>, vector<16xi32>,
      %and3A_116 = arith.constant 1 : i32
      %and3A_117 = vector.broadcast %and3A_116 : i32 to vector<16xi32>
      %and3A_118 = arith.andi %get3A_115, %and3A_117 : vector<16xi32>
      %mul3A_119 = arith.constant 64 : i32
      %mul3A_120 = vector.broadcast %mul3A_119 : i32 to vector<16xi32>
      %mul3A_121 = arith.muli %and3A_118, %mul3A_120 : vector<16xi32>
      %get3A_122 = arith.index_cast %add3A_63 : i32 to index
      %get3A_123 = arith.constant 80 : index
      %get3A_124 = tpu.vector_load %arg5[%get3A_122, %get3A_123] {strides = array<i32>} : memref<200x128xi32, #tpu.memory_space<vmem>>, vector<16xi32>,
      %and3A_125 = arith.constant 1 : i32
      %and3A_126 = vector.broadcast %and3A_125 : i32 to vector<16xi32>
      %and3A_127 = arith.andi %get3A_124, %and3A_126 : vector<16xi32>
      %mul3A_128 = arith.constant 64 : i32
      %mul3A_129 = vector.broadcast %mul3A_128 : i32 to vector<16xi32>
      %mul3A_130 = arith.muli %and3A_127, %mul3A_129 : vector<16xi32>
      %get3A_131 = arith.index_cast %add3A_63 : i32 to index
      %get3A_132 = arith.constant 96 : index
      %get3A_133 = tpu.vector_load %arg5[%get3A_131, %get3A_132] {strides = array<i32>} : memref<200x128xi32, #tpu.memory_space<vmem>>, vector<16xi32>,
      %and3A_134 = arith.constant 1 : i32
      %and3A_135 = vector.broadcast %and3A_134 : i32 to vector<16xi32>
      %and3A_136 = arith.andi %get3A_133, %and3A_135 : vector<16xi32>
      %mul3A_137 = arith.constant 64 : i32
      %mul3A_138 = vector.broadcast %mul3A_137 : i32 to vector<16xi32>
      %mul3A_139 = arith.muli %and3A_136, %mul3A_138 : vector<16xi32>
      %get3A_140 = arith.index_cast %add3A_63 : i32 to index
      %get3A_141 = arith.constant 112 : index
      %get3A_142 = tpu.vector_load %arg5[%get3A_140, %get3A_141] {strides = array<i32>} : memref<200x128xi32, #tpu.memory_space<vmem>>, vector<16xi32>,
      %and3A_143 = arith.constant 1 : i32
      %and3A_144 = vector.broadcast %and3A_143 : i32 to vector<16xi32>
      %and3A_145 = arith.andi %get3A_142, %and3A_144 : vector<16xi32>
      %mul3A_146 = arith.constant 64 : i32
      %mul3A_147 = vector.broadcast %mul3A_146 : i32 to vector<16xi32>
      %mul3A_148 = arith.muli %and3A_145, %mul3A_147 : vector<16xi32>
      %broadcast_in_dim3A = arith.constant 0 : i32
      %broadcast_in_dim3A_149 = vector.broadcast %broadcast_in_dim3A : i32 to vector<16xi32>
      %scan3A_150 = arith.constant 0 : i32
      %scan3A_151 = arith.constant 0 : i32
      %scan3A_152 = arith.constant 64 : i32
      %scan3A_153 = arith.addi %scan3A_151, %scan3A_152 : i32
      %scan3A_154 = arith.constant 1 : i32
      %scan3A_155 = scf.for %scan3A_291 = %scan3A_151 to %scan3A_153 step %scan3A_154 iter_args(%scan3A_292 = %scan3A_150) -> (i32)  : i32 {
        %add3A_293 = arith.constant 0 : i32
        %add3A_294 = vector.broadcast %add3A_293 : i32 to vector<16xi32>
        %add3A_295 = arith.addi %add3A_294, %iota3A : vector<16xi32>
        %add3A_296 = vector.broadcast %scan3A_291 : i32 to vector<16xi32>
        %add3A_297 = arith.addi %mul3A_85, %add3A_296 : vector<16xi32>
        %gather3A = tpu.vector_load_idx %arg7[%broadcast_in_dim3A_149, %add3A_295, %add3A_297] : memref<2x128x128xf32, #tpu.memory_space<vmem>>[vector<16xi32>, vector<16xi32>, vector<16xi32>], vector<16xf32>,
        %swap3A = arith.constant 0 : i32
        %swap3A_298 = arith.index_cast %swap3A : i32 to index
        %swap3A_299 = arith.index_cast %scan3A_291 : i32 to index
        %swap3A_300 = arith.constant 0 : index
        %swap3A_301 = tpu.vector_load %arg8[%swap3A_298, %swap3A_299, %swap3A_300] {strides = array<i32>} : memref<2x64x128xf32, #tpu.memory_space<vmem>>, vector<16xf32>,
        tpu.vector_store %arg8[%swap3A_298, %swap3A_299, %swap3A_300], %gather3A {strides = array<i32>} : memref<2x64x128xf32, #tpu.memory_space<vmem>>, vector<16xf32>,
        %add3A_302 = arith.constant 16 : i32
        %add3A_303 = vector.broadcast %add3A_302 : i32 to vector<16xi32>
        %add3A_304 = arith.addi %add3A_303, %iota3A : vector<16xi32>
        %add3A_305 = vector.broadcast %scan3A_291 : i32 to vector<16xi32>
        %add3A_306 = arith.addi %mul3A_94, %add3A_305 : vector<16xi32>
        %gather3A_307 = tpu.vector_load_idx %arg7[%broadcast_in_dim3A_149, %add3A_304, %add3A_306] : memref<2x128x128xf32, #tpu.memory_space<vmem>>[vector<16xi32>, vector<16xi32>, vector<16xi32>], vector<16xf32>,
        %swap3A_308 = arith.constant 0 : i32
        %swap3A_309 = arith.index_cast %swap3A_308 : i32 to index
        %swap3A_310 = arith.index_cast %scan3A_291 : i32 to index
        %swap3A_311 = arith.constant 16 : index
        %swap3A_312 = tpu.vector_load %arg8[%swap3A_309, %swap3A_310, %swap3A_311] {strides = array<i32>} : memref<2x64x128xf32, #tpu.memory_space<vmem>>, vector<16xf32>,
        tpu.vector_store %arg8[%swap3A_309, %swap3A_310, %swap3A_311], %gather3A_307 {strides = array<i32>} : memref<2x64x128xf32, #tpu.memory_space<vmem>>, vector<16xf32>,
        %add3A_313 = arith.constant 32 : i32
        %add3A_314 = vector.broadcast %add3A_313 : i32 to vector<16xi32>
        %add3A_315 = arith.addi %add3A_314, %iota3A : vector<16xi32>
        %add3A_316 = vector.broadcast %scan3A_291 : i32 to vector<16xi32>
        %add3A_317 = arith.addi %mul3A_103, %add3A_316 : vector<16xi32>
        %gather3A_318 = tpu.vector_load_idx %arg7[%broadcast_in_dim3A_149, %add3A_315, %add3A_317] : memref<2x128x128xf32, #tpu.memory_space<vmem>>[vector<16xi32>, vector<16xi32>, vector<16xi32>], vector<16xf32>,
        %swap3A_319 = arith.constant 0 : i32
        %swap3A_320 = arith.index_cast %swap3A_319 : i32 to index
        %swap3A_321 = arith.index_cast %scan3A_291 : i32 to index
        %swap3A_322 = arith.constant 32 : index
        %swap3A_323 = tpu.vector_load %arg8[%swap3A_320, %swap3A_321, %swap3A_322] {strides = array<i32>} : memref<2x64x128xf32, #tpu.memory_space<vmem>>, vector<16xf32>,
        tpu.vector_store %arg8[%swap3A_320, %swap3A_321, %swap3A_322], %gather3A_318 {strides = array<i32>} : memref<2x64x128xf32, #tpu.memory_space<vmem>>, vector<16xf32>,
        %add3A_324 = arith.constant 48 : i32
        %add3A_325 = vector.broadcast %add3A_324 : i32 to vector<16xi32>
        %add3A_326 = arith.addi %add3A_325, %iota3A : vector<16xi32>
        %add3A_327 = vector.broadcast %scan3A_291 : i32 to vector<16xi32>
        %add3A_328 = arith.addi %mul3A_112, %add3A_327 : vector<16xi32>
        %gather3A_329 = tpu.vector_load_idx %arg7[%broadcast_in_dim3A_149, %add3A_326, %add3A_328] : memref<2x128x128xf32, #tpu.memory_space<vmem>>[vector<16xi32>, vector<16xi32>, vector<16xi32>], vector<16xf32>,
        %swap3A_330 = arith.constant 0 : i32
        %swap3A_331 = arith.index_cast %swap3A_330 : i32 to index
        %swap3A_332 = arith.index_cast %scan3A_291 : i32 to index
        %swap3A_333 = arith.constant 48 : index
        %swap3A_334 = tpu.vector_load %arg8[%swap3A_331, %swap3A_332, %swap3A_333] {strides = array<i32>} : memref<2x64x128xf32, #tpu.memory_space<vmem>>, vector<16xf32>,
        tpu.vector_store %arg8[%swap3A_331, %swap3A_332, %swap3A_333], %gather3A_329 {strides = array<i32>} : memref<2x64x128xf32, #tpu.memory_space<vmem>>, vector<16xf32>,
        %add3A_335 = arith.constant 64 : i32
        %add3A_336 = vector.broadcast %add3A_335 : i32 to vector<16xi32>
        %add3A_337 = arith.addi %add3A_336, %iota3A : vector<16xi32>
        %add3A_338 = vector.broadcast %scan3A_291 : i32 to vector<16xi32>
        %add3A_339 = arith.addi %mul3A_121, %add3A_338 : vector<16xi32>
        %gather3A_340 = tpu.vector_load_idx %arg7[%broadcast_in_dim3A_149, %add3A_337, %add3A_339] : memref<2x128x128xf32, #tpu.memory_space<vmem>>[vector<16xi32>, vector<16xi32>, vector<16xi32>], vector<16xf32>,
        %swap3A_341 = arith.constant 0 : i32
        %swap3A_342 = arith.index_cast %swap3A_341 : i32 to index
        %swap3A_343 = arith.index_cast %scan3A_291 : i32 to index
        %swap3A_344 = arith.constant 64 : index
        %swap3A_345 = tpu.vector_load %arg8[%swap3A_342, %swap3A_343, %swap3A_344] {strides = array<i32>} : memref<2x64x128xf32, #tpu.memory_space<vmem>>, vector<16xf32>,
        tpu.vector_store %arg8[%swap3A_342, %swap3A_343, %swap3A_344], %gather3A_340 {strides = array<i32>} : memref<2x64x128xf32, #tpu.memory_space<vmem>>, vector<16xf32>,
        %add3A_346 = arith.constant 80 : i32
        %add3A_347 = vector.broadcast %add3A_346 : i32 to vector<16xi32>
        %add3A_348 = arith.addi %add3A_347, %iota3A : vector<16xi32>
        %add3A_349 = vector.broadcast %scan3A_291 : i32 to vector<16xi32>
        %add3A_350 = arith.addi %mul3A_130, %add3A_349 : vector<16xi32>
        %gather3A_351 = tpu.vector_load_idx %arg7[%broadcast_in_dim3A_149, %add3A_348, %add3A_350] : memref<2x128x128xf32, #tpu.memory_space<vmem>>[vector<16xi32>, vector<16xi32>, vector<16xi32>], vector<16xf32>,
        %swap3A_352 = arith.constant 0 : i32
        %swap3A_353 = arith.index_cast %swap3A_352 : i32 to index
        %swap3A_354 = arith.index_cast %scan3A_291 : i32 to index
        %swap3A_355 = arith.constant 80 : index
        %swap3A_356 = tpu.vector_load %arg8[%swap3A_353, %swap3A_354, %swap3A_355] {strides = array<i32>} : memref<2x64x128xf32, #tpu.memory_space<vmem>>, vector<16xf32>,
        tpu.vector_store %arg8[%swap3A_353, %swap3A_354, %swap3A_355], %gather3A_351 {strides = array<i32>} : memref<2x64x128xf32, #tpu.memory_space<vmem>>, vector<16xf32>,
        %add3A_357 = arith.constant 96 : i32
        %add3A_358 = vector.broadcast %add3A_357 : i32 to vector<16xi32>
        %add3A_359 = arith.addi %add3A_358, %iota3A : vector<16xi32>
        %add3A_360 = vector.broadcast %scan3A_291 : i32 to vector<16xi32>
        %add3A_361 = arith.addi %mul3A_139, %add3A_360 : vector<16xi32>
        %gather3A_362 = tpu.vector_load_idx %arg7[%broadcast_in_dim3A_149, %add3A_359, %add3A_361] : memref<2x128x128xf32, #tpu.memory_space<vmem>>[vector<16xi32>, vector<16xi32>, vector<16xi32>], vector<16xf32>,
        %swap3A_363 = arith.constant 0 : i32
        %swap3A_364 = arith.index_cast %swap3A_363 : i32 to index
        %swap3A_365 = arith.index_cast %scan3A_291 : i32 to index
        %swap3A_366 = arith.constant 96 : index
        %swap3A_367 = tpu.vector_load %arg8[%swap3A_364, %swap3A_365, %swap3A_366] {strides = array<i32>} : memref<2x64x128xf32, #tpu.memory_space<vmem>>, vector<16xf32>,
        tpu.vector_store %arg8[%swap3A_364, %swap3A_365, %swap3A_366], %gather3A_362 {strides = array<i32>} : memref<2x64x128xf32, #tpu.memory_space<vmem>>, vector<16xf32>,
        %add3A_368 = arith.constant 112 : i32
        %add3A_369 = vector.broadcast %add3A_368 : i32 to vector<16xi32>
        %add3A_370 = arith.addi %add3A_369, %iota3A : vector<16xi32>
        %add3A_371 = vector.broadcast %scan3A_291 : i32 to vector<16xi32>
        %add3A_372 = arith.addi %mul3A_148, %add3A_371 : vector<16xi32>
        %gather3A_373 = tpu.vector_load_idx %arg7[%broadcast_in_dim3A_149, %add3A_370, %add3A_372] : memref<2x128x128xf32, #tpu.memory_space<vmem>>[vector<16xi32>, vector<16xi32>, vector<16xi32>], vector<16xf32>,
        %swap3A_374 = arith.constant 0 : i32
        %swap3A_375 = arith.index_cast %swap3A_374 : i32 to index
        %swap3A_376 = arith.index_cast %scan3A_291 : i32 to index
        %swap3A_377 = arith.constant 112 : index
        %swap3A_378 = tpu.vector_load %arg8[%swap3A_375, %swap3A_376, %swap3A_377] {strides = array<i32>} : memref<2x64x128xf32, #tpu.memory_space<vmem>>, vector<16xf32>,
        tpu.vector_store %arg8[%swap3A_375, %swap3A_376, %swap3A_377], %gather3A_373 {strides = array<i32>} : memref<2x64x128xf32, #tpu.memory_space<vmem>>, vector<16xf32>,
        %scan3A_379 = arith.constant 0 : i32
        scf.yield %scan3A_379 : i32
      }
      %scan3A_156 = arith.constant 64 : i32
      %dma_start3A_157 = arith.constant 0 : i32
      %dma_start3A_158 = arith.constant 0 : i32
      %dma_start3A_159 = arith.constant 0 : i32
      %dma_start3A_160 = tpu.memref_slice %arg8[%dma_start3A_157, %dma_start3A_158, %dma_start3A_159] : memref<2x64x128xf32, #tpu.memory_space<vmem>> -> memref<1x64x128xf32, #tpu.memory_space<vmem>>
      %dma_start3A_161 = tpu.memref_squeeze %dma_start3A_160 : memref<1x64x128xf32, #tpu.memory_space<vmem>> -> memref<64x128xf32, #tpu.memory_space<vmem>>
      %dma_start3A_162 = arith.constant 0 : i32
      %dma_start3A_163 = tpu.memref_slice %arg4[%add3A_63, %dma_start3A_162, %mul3A_2] : memref<200x64x4096xf32, #tpu.memory_space<hbm>> -> memref<1x64x128xf32, #tpu.memory_space<hbm>>
      %dma_start3A_164 = tpu.memref_squeeze %dma_start3A_163 : memref<1x64x128xf32, #tpu.memory_space<hbm>> -> memref<64x128xf32, #tpu.memory_space<hbm>>
      %dma_start3A_165 = arith.constant 0 : i32
      %dma_start3A_166 = tpu.memref_slice %arg4[%add3A_63, %dma_start3A_165, %mul3A_2] : memref<200x64x4096xf32, #tpu.memory_space<hbm>> -> memref<1x64x128xf32, #tpu.memory_space<hbm>>
      %dma_start3A_167 = tpu.memref_squeeze %dma_start3A_166 : memref<1x64x128xf32, #tpu.memory_space<hbm>> -> memref<64x128xf32, #tpu.memory_space<hbm>>
      %dma_start3A_168 = arith.constant 0 : i32
      %dma_start3A_169 = arith.constant 0 : i32
      %dma_start3A_170 = tpu.memref_slice %arg8[%dma_start3A_157, %dma_start3A_168, %dma_start3A_169] : memref<2x64x128xf32, #tpu.memory_space<vmem>> -> memref<1x64x128xf32, #tpu.memory_space<vmem>>
      %dma_start3A_171 = tpu.memref_squeeze %dma_start3A_170 : memref<1x64x128xf32, #tpu.memory_space<vmem>> -> memref<64x128xf32, #tpu.memory_space<vmem>>
      tpu.enqueue_dma source(%dma_start3A_171 : memref<64x128xf32, #tpu.memory_space<vmem>>) target(%dma_start3A_167 : memref<64x128xf32, #tpu.memory_space<hbm>>) target_semaphore(%arg11 : memref<!tpu.dma_semaphore, #tpu.memory_space<semaphore_mem>>)
      %mul3A_172 = arith.constant 2 : i32
      %mul3A_173 = arith.muli %scan3A_58, %mul3A_172 : i32
      %add3A_174 = arith.constant 1 : i32
      %add3A_175 = arith.addi %mul3A_173, %add3A_174 : i32
      %add3A_176 = arith.constant 1 : i32
      %add3A_177 = arith.addi %add3A_175, %add3A_176 : i32
      %lt3A_178 = arith.constant 200 : i32
      %lt3A_179 = arith.cmpi slt, %add3A_177, %lt3A_178 : i32
      %convert_element_type3A_180 = arith.extui %lt3A_179 : i1 to i32
      %cond3A_181 = arith.constant 0 : i32
      %cond3A_182 = arith.cmpi ne, %convert_element_type3A_180, %cond3A_181 : i32
      scf.if %cond3A_182 {
        %ge3A = arith.constant 1 : i32
        %ge3A_291 = arith.cmpi sge, %add3A_175, %ge3A : i32
        %convert_element_type3A_292 = arith.extui %ge3A_291 : i1 to i32
        %cond3A_293 = arith.constant 0 : i32
        %cond3A_294 = arith.cmpi ne, %convert_element_type3A_292, %cond3A_293 : i32
        scf.if %cond3A_294 {
          %sub3A = arith.constant 1 : i32
          %sub3A_308 = arith.subi %add3A_175, %sub3A : i32
          %dma_wait3A_309 = arith.constant 0 : i32
          %dma_wait3A_310 = arith.constant 0 : i32
          %dma_wait3A_311 = arith.constant 0 : i32
          %dma_wait3A_312 = tpu.memref_slice %arg8[%dma_wait3A_309, %dma_wait3A_310, %dma_wait3A_311] : memref<2x64x128xf32, #tpu.memory_space<vmem>> -> memref<1x64x128xf32, #tpu.memory_space<vmem>>
          %dma_wait3A_313 = tpu.memref_squeeze %dma_wait3A_312 : memref<1x64x128xf32, #tpu.memory_space<vmem>> -> memref<64x128xf32, #tpu.memory_space<vmem>>
          %dma_wait3A_314 = arith.constant 0 : i32
          %dma_wait3A_315 = tpu.memref_slice %arg4[%sub3A_308, %dma_wait3A_314, %mul3A_2] : memref<200x64x4096xf32, #tpu.memory_space<hbm>> -> memref<1x64x128xf32, #tpu.memory_space<hbm>>
          %dma_wait3A_316 = tpu.memref_squeeze %dma_wait3A_315 : memref<1x64x128xf32, #tpu.memory_space<hbm>> -> memref<64x128xf32, #tpu.memory_space<hbm>>
          %dma_wait3A_317 = arith.constant 0 : i32
          %dma_wait3A_318 = tpu.memref_slice %arg4[%sub3A_308, %dma_wait3A_317, %mul3A_2] : memref<200x64x4096xf32, #tpu.memory_space<hbm>> -> memref<1x64x128xf32, #tpu.memory_space<hbm>>
          %dma_wait3A_319 = tpu.memref_squeeze %dma_wait3A_318 : memref<1x64x128xf32, #tpu.memory_space<hbm>> -> memref<64x128xf32, #tpu.memory_space<hbm>>
          %dma_wait3A_320 = arith.constant 0 : i32
          %dma_wait3A_321 = arith.constant 0 : i32
          %dma_wait3A_322 = tpu.memref_slice %arg8[%dma_wait3A_309, %dma_wait3A_320, %dma_wait3A_321] : memref<2x64x128xf32, #tpu.memory_space<vmem>> -> memref<1x64x128xf32, #tpu.memory_space<vmem>>
          %dma_wait3A_323 = tpu.memref_squeeze %dma_wait3A_322 : memref<1x64x128xf32, #tpu.memory_space<vmem>> -> memref<64x128xf32, #tpu.memory_space<vmem>>
          tpu.wait_dma2 semaphore(%arg11 : memref<!tpu.dma_semaphore, #tpu.memory_space<semaphore_mem>>) src(%dma_wait3A_323 : memref<64x128xf32, #tpu.memory_space<vmem>>) dst(%dma_wait3A_319 : memref<64x128xf32, #tpu.memory_space<hbm>>)
        } else {
        }
        %add3A_295 = arith.constant 1 : i32
        %add3A_296 = arith.addi %add3A_175, %add3A_295 : i32
        %dma_start3A_297 = arith.constant 0 : i32
        %dma_start3A_298 = arith.constant 0 : i32
        %dma_start3A_299 = arith.constant 0 : i32
        %dma_start3A_300 = tpu.memref_slice %arg7[%dma_start3A_297, %dma_start3A_298, %dma_start3A_299] : memref<2x128x128xf32, #tpu.memory_space<vmem>> -> memref<1x128x128xf32, #tpu.memory_space<vmem>>
        %dma_start3A_301 = tpu.memref_squeeze %dma_start3A_300 : memref<1x128x128xf32, #tpu.memory_space<vmem>> -> memref<128x128xf32, #tpu.memory_space<vmem>>
        %dma_start3A_302 = arith.constant 0 : i32
        %dma_start3A_303 = tpu.memref_slice %arg6[%add3A_296, %dma_start3A_302] : memref<200x128xi32, #tpu.memory_space<vmem>> -> memref<1x128xi32, #tpu.memory_space<vmem>>
        %dma_start3A_304 = tpu.memref_squeeze %dma_start3A_303 : memref<1x128xi32, #tpu.memory_space<vmem>> -> memref<128xi32, #tpu.memory_space<vmem>>
        %dma_start3A_305 = arith.constant 0 : i32
        %dma_start3A_306 = arith.constant 0 : i32
        %dma_start3A_307 = tpu.memref_slice %arg3[%dma_start3A_305, %dma_start3A_306] : memref<500000x128xf32, #tpu.memory_space<hbm>> -> memref<500000x128xf32, #tpu.memory_space<hbm>>
        tpu.enqueue_indirect_dma source(%dma_start3A_307 : memref<500000x128xf32, #tpu.memory_space<hbm>>) target(%dma_start3A_301 : memref<128x128xf32, #tpu.memory_space<vmem>>) offsets(%dma_start3A_304 : memref<128xi32, #tpu.memory_space<vmem>>) semaphore(%arg9 : memref<!tpu.dma_semaphore, #tpu.memory_space<semaphore_mem>>)
      } else {
      }
      %dma_wait3A_183 = arith.constant 1 : i32
      %dma_wait3A_184 = arith.constant 0 : i32
      %dma_wait3A_185 = arith.constant 0 : i32
      %dma_wait3A_186 = tpu.memref_slice %arg7[%dma_wait3A_183, %dma_wait3A_184, %dma_wait3A_185] : memref<2x128x128xf32, #tpu.memory_space<vmem>> -> memref<1x128x128xf32, #tpu.memory_space<vmem>>
      %dma_wait3A_187 = tpu.memref_squeeze %dma_wait3A_186 : memref<1x128x128xf32, #tpu.memory_space<vmem>> -> memref<128x128xf32, #tpu.memory_space<vmem>>
      %dma_wait3A_188 = arith.constant 0 : i32
      %dma_wait3A_189 = tpu.memref_slice %arg6[%add3A_175, %dma_wait3A_188] : memref<200x128xi32, #tpu.memory_space<vmem>> -> memref<1x128xi32, #tpu.memory_space<vmem>>
      %dma_wait3A_190 = tpu.memref_squeeze %dma_wait3A_189 : memref<1x128xi32, #tpu.memory_space<vmem>> -> memref<128xi32, #tpu.memory_space<vmem>>
      %dma_wait3A_191 = arith.constant 0 : i32
      %dma_wait3A_192 = arith.constant 0 : i32
      %dma_wait3A_193 = tpu.memref_slice %arg3[%dma_wait3A_191, %dma_wait3A_192] : memref<500000x128xf32, #tpu.memory_space<hbm>> -> memref<500000x128xf32, #tpu.memory_space<hbm>>
      tpu.wait_indirect_dma semaphore(%arg10 : memref<!tpu.dma_semaphore, #tpu.memory_space<semaphore_mem>>) src(%dma_wait3A_193 : memref<500000x128xf32, #tpu.memory_space<hbm>>) dst(%dma_wait3A_187 : memref<128x128xf32, #tpu.memory_space<vmem>>)
      %get3A_194 = arith.index_cast %add3A_175 : i32 to index
      %get3A_195 = arith.constant 0 : index
      %get3A_196 = tpu.vector_load %arg5[%get3A_194, %get3A_195] {strides = array<i32>} : memref<200x128xi32, #tpu.memory_space<vmem>>, vector<16xi32>,
      %and3A_197 = arith.constant 1 : i32
      %and3A_198 = vector.broadcast %and3A_197 : i32 to vector<16xi32>
      %and3A_199 = arith.andi %get3A_196, %and3A_198 : vector<16xi32>
      %mul3A_200 = arith.constant 64 : i32
      %mul3A_201 = vector.broadcast %mul3A_200 : i32 to vector<16xi32>
      %mul3A_202 = arith.muli %and3A_199, %mul3A_201 : vector<16xi32>
      %get3A_203 = arith.index_cast %add3A_175 : i32 to index
      %get3A_204 = arith.constant 16 : index
      %get3A_205 = tpu.vector_load %arg5[%get3A_203, %get3A_204] {strides = array<i32>} : memref<200x128xi32, #tpu.memory_space<vmem>>, vector<16xi32>,
      %and3A_206 = arith.constant 1 : i32
      %and3A_207 = vector.broadcast %and3A_206 : i32 to vector<16xi32>
      %and3A_208 = arith.andi %get3A_205, %and3A_207 : vector<16xi32>
      %mul3A_209 = arith.constant 64 : i32
      %mul3A_210 = vector.broadcast %mul3A_209 : i32 to vector<16xi32>
      %mul3A_211 = arith.muli %and3A_208, %mul3A_210 : vector<16xi32>
      %get3A_212 = arith.index_cast %add3A_175 : i32 to index
      %get3A_213 = arith.constant 32 : index
      %get3A_214 = tpu.vector_load %arg5[%get3A_212, %get3A_213] {strides = array<i32>} : memref<200x128xi32, #tpu.memory_space<vmem>>, vector<16xi32>,
      %and3A_215 = arith.constant 1 : i32
      %and3A_216 = vector.broadcast %and3A_215 : i32 to vector<16xi32>
      %and3A_217 = arith.andi %get3A_214, %and3A_216 : vector<16xi32>
      %mul3A_218 = arith.constant 64 : i32
      %mul3A_219 = vector.broadcast %mul3A_218 : i32 to vector<16xi32>
      %mul3A_220 = arith.muli %and3A_217, %mul3A_219 : vector<16xi32>
      %get3A_221 = arith.index_cast %add3A_175 : i32 to index
      %get3A_222 = arith.constant 48 : index
      %get3A_223 = tpu.vector_load %arg5[%get3A_221, %get3A_222] {strides = array<i32>} : memref<200x128xi32, #tpu.memory_space<vmem>>, vector<16xi32>,
      %and3A_224 = arith.constant 1 : i32
      %and3A_225 = vector.broadcast %and3A_224 : i32 to vector<16xi32>
      %and3A_226 = arith.andi %get3A_223, %and3A_225 : vector<16xi32>
      %mul3A_227 = arith.constant 64 : i32
      %mul3A_228 = vector.broadcast %mul3A_227 : i32 to vector<16xi32>
      %mul3A_229 = arith.muli %and3A_226, %mul3A_228 : vector<16xi32>
      %get3A_230 = arith.index_cast %add3A_175 : i32 to index
      %get3A_231 = arith.constant 64 : index
      %get3A_232 = tpu.vector_load %arg5[%get3A_230, %get3A_231] {strides = array<i32>} : memref<200x128xi32, #tpu.memory_space<vmem>>, vector<16xi32>,
      %and3A_233 = arith.constant 1 : i32
      %and3A_234 = vector.broadcast %and3A_233 : i32 to vector<16xi32>
      %and3A_235 = arith.andi %get3A_232, %and3A_234 : vector<16xi32>
      %mul3A_236 = arith.constant 64 : i32
      %mul3A_237 = vector.broadcast %mul3A_236 : i32 to vector<16xi32>
      %mul3A_238 = arith.muli %and3A_235, %mul3A_237 : vector<16xi32>
      %get3A_239 = arith.index_cast %add3A_175 : i32 to index
      %get3A_240 = arith.constant 80 : index
      %get3A_241 = tpu.vector_load %arg5[%get3A_239, %get3A_240] {strides = array<i32>} : memref<200x128xi32, #tpu.memory_space<vmem>>, vector<16xi32>,
      %and3A_242 = arith.constant 1 : i32
      %and3A_243 = vector.broadcast %and3A_242 : i32 to vector<16xi32>
      %and3A_244 = arith.andi %get3A_241, %and3A_243 : vector<16xi32>
      %mul3A_245 = arith.constant 64 : i32
      %mul3A_246 = vector.broadcast %mul3A_245 : i32 to vector<16xi32>
      %mul3A_247 = arith.muli %and3A_244, %mul3A_246 : vector<16xi32>
      %get3A_248 = arith.index_cast %add3A_175 : i32 to index
      %get3A_249 = arith.constant 96 : index
      %get3A_250 = tpu.vector_load %arg5[%get3A_248, %get3A_249] {strides = array<i32>} : memref<200x128xi32, #tpu.memory_space<vmem>>, vector<16xi32>,
      %and3A_251 = arith.constant 1 : i32
      %and3A_252 = vector.broadcast %and3A_251 : i32 to vector<16xi32>
      %and3A_253 = arith.andi %get3A_250, %and3A_252 : vector<16xi32>
      %mul3A_254 = arith.constant 64 : i32
      %mul3A_255 = vector.broadcast %mul3A_254 : i32 to vector<16xi32>
      %mul3A_256 = arith.muli %and3A_253, %mul3A_255 : vector<16xi32>
      %get3A_257 = arith.index_cast %add3A_175 : i32 to index
      %get3A_258 = arith.constant 112 : index
      %get3A_259 = tpu.vector_load %arg5[%get3A_257, %get3A_258] {strides = array<i32>} : memref<200x128xi32, #tpu.memory_space<vmem>>, vector<16xi32>,
      %and3A_260 = arith.constant 1 : i32
      %and3A_261 = vector.broadcast %and3A_260 : i32 to vector<16xi32>
      %and3A_262 = arith.andi %get3A_259, %and3A_261 : vector<16xi32>
      %mul3A_263 = arith.constant 64 : i32
      %mul3A_264 = vector.broadcast %mul3A_263 : i32 to vector<16xi32>
      %mul3A_265 = arith.muli %and3A_262, %mul3A_264 : vector<16xi32>
      %broadcast_in_dim3A_266 = arith.constant 1 : i32
      %broadcast_in_dim3A_267 = vector.broadcast %broadcast_in_dim3A_266 : i32 to vector<16xi32>
      %scan3A_268 = arith.constant 0 : i32
      %scan3A_269 = arith.constant 0 : i32
      %scan3A_270 = arith.constant 64 : i32
      %scan3A_271 = arith.addi %scan3A_269, %scan3A_270 : i32
      %scan3A_272 = arith.constant 1 : i32
      %scan3A_273 = scf.for %scan3A_291 = %scan3A_269 to %scan3A_271 step %scan3A_272 iter_args(%scan3A_292 = %scan3A_268) -> (i32)  : i32 {
        %add3A_293 = arith.constant 0 : i32
        %add3A_294 = vector.broadcast %add3A_293 : i32 to vector<16xi32>
        %add3A_295 = arith.addi %add3A_294, %iota3A : vector<16xi32>
        %add3A_296 = vector.broadcast %scan3A_291 : i32 to vector<16xi32>
        %add3A_297 = arith.addi %mul3A_202, %add3A_296 : vector<16xi32>
        %gather3A = tpu.vector_load_idx %arg7[%broadcast_in_dim3A_267, %add3A_295, %add3A_297] : memref<2x128x128xf32, #tpu.memory_space<vmem>>[vector<16xi32>, vector<16xi32>, vector<16xi32>], vector<16xf32>,
        %swap3A = arith.constant 1 : i32
        %swap3A_298 = arith.index_cast %swap3A : i32 to index
        %swap3A_299 = arith.index_cast %scan3A_291 : i32 to index
        %swap3A_300 = arith.constant 0 : index
        %swap3A_301 = tpu.vector_load %arg8[%swap3A_298, %swap3A_299, %swap3A_300] {strides = array<i32>} : memref<2x64x128xf32, #tpu.memory_space<vmem>>, vector<16xf32>,
        tpu.vector_store %arg8[%swap3A_298, %swap3A_299, %swap3A_300], %gather3A {strides = array<i32>} : memref<2x64x128xf32, #tpu.memory_space<vmem>>, vector<16xf32>,
        %add3A_302 = arith.constant 16 : i32
        %add3A_303 = vector.broadcast %add3A_302 : i32 to vector<16xi32>
        %add3A_304 = arith.addi %add3A_303, %iota3A : vector<16xi32>
        %add3A_305 = vector.broadcast %scan3A_291 : i32 to vector<16xi32>
        %add3A_306 = arith.addi %mul3A_211, %add3A_305 : vector<16xi32>
        %gather3A_307 = tpu.vector_load_idx %arg7[%broadcast_in_dim3A_267, %add3A_304, %add3A_306] : memref<2x128x128xf32, #tpu.memory_space<vmem>>[vector<16xi32>, vector<16xi32>, vector<16xi32>], vector<16xf32>,
        %swap3A_308 = arith.constant 1 : i32
        %swap3A_309 = arith.index_cast %swap3A_308 : i32 to index
        %swap3A_310 = arith.index_cast %scan3A_291 : i32 to index
        %swap3A_311 = arith.constant 16 : index
        %swap3A_312 = tpu.vector_load %arg8[%swap3A_309, %swap3A_310, %swap3A_311] {strides = array<i32>} : memref<2x64x128xf32, #tpu.memory_space<vmem>>, vector<16xf32>,
        tpu.vector_store %arg8[%swap3A_309, %swap3A_310, %swap3A_311], %gather3A_307 {strides = array<i32>} : memref<2x64x128xf32, #tpu.memory_space<vmem>>, vector<16xf32>,
        %add3A_313 = arith.constant 32 : i32
        %add3A_314 = vector.broadcast %add3A_313 : i32 to vector<16xi32>
        %add3A_315 = arith.addi %add3A_314, %iota3A : vector<16xi32>
        %add3A_316 = vector.broadcast %scan3A_291 : i32 to vector<16xi32>
        %add3A_317 = arith.addi %mul3A_220, %add3A_316 : vector<16xi32>
        %gather3A_318 = tpu.vector_load_idx %arg7[%broadcast_in_dim3A_267, %add3A_315, %add3A_317] : memref<2x128x128xf32, #tpu.memory_space<vmem>>[vector<16xi32>, vector<16xi32>, vector<16xi32>], vector<16xf32>,
        %swap3A_319 = arith.constant 1 : i32
        %swap3A_320 = arith.index_cast %swap3A_319 : i32 to index
        %swap3A_321 = arith.index_cast %scan3A_291 : i32 to index
        %swap3A_322 = arith.constant 32 : index
        %swap3A_323 = tpu.vector_load %arg8[%swap3A_320, %swap3A_321, %swap3A_322] {strides = array<i32>} : memref<2x64x128xf32, #tpu.memory_space<vmem>>, vector<16xf32>,
        tpu.vector_store %arg8[%swap3A_320, %swap3A_321, %swap3A_322], %gather3A_318 {strides = array<i32>} : memref<2x64x128xf32, #tpu.memory_space<vmem>>, vector<16xf32>,
        %add3A_324 = arith.constant 48 : i32
        %add3A_325 = vector.broadcast %add3A_324 : i32 to vector<16xi32>
        %add3A_326 = arith.addi %add3A_325, %iota3A : vector<16xi32>
        %add3A_327 = vector.broadcast %scan3A_291 : i32 to vector<16xi32>
        %add3A_328 = arith.addi %mul3A_229, %add3A_327 : vector<16xi32>
        %gather3A_329 = tpu.vector_load_idx %arg7[%broadcast_in_dim3A_267, %add3A_326, %add3A_328] : memref<2x128x128xf32, #tpu.memory_space<vmem>>[vector<16xi32>, vector<16xi32>, vector<16xi32>], vector<16xf32>,
        %swap3A_330 = arith.constant 1 : i32
        %swap3A_331 = arith.index_cast %swap3A_330 : i32 to index
        %swap3A_332 = arith.index_cast %scan3A_291 : i32 to index
        %swap3A_333 = arith.constant 48 : index
        %swap3A_334 = tpu.vector_load %arg8[%swap3A_331, %swap3A_332, %swap3A_333] {strides = array<i32>} : memref<2x64x128xf32, #tpu.memory_space<vmem>>, vector<16xf32>,
        tpu.vector_store %arg8[%swap3A_331, %swap3A_332, %swap3A_333], %gather3A_329 {strides = array<i32>} : memref<2x64x128xf32, #tpu.memory_space<vmem>>, vector<16xf32>,
        %add3A_335 = arith.constant 64 : i32
        %add3A_336 = vector.broadcast %add3A_335 : i32 to vector<16xi32>
        %add3A_337 = arith.addi %add3A_336, %iota3A : vector<16xi32>
        %add3A_338 = vector.broadcast %scan3A_291 : i32 to vector<16xi32>
        %add3A_339 = arith.addi %mul3A_238, %add3A_338 : vector<16xi32>
        %gather3A_340 = tpu.vector_load_idx %arg7[%broadcast_in_dim3A_267, %add3A_337, %add3A_339] : memref<2x128x128xf32, #tpu.memory_space<vmem>>[vector<16xi32>, vector<16xi32>, vector<16xi32>], vector<16xf32>,
        %swap3A_341 = arith.constant 1 : i32
        %swap3A_342 = arith.index_cast %swap3A_341 : i32 to index
        %swap3A_343 = arith.index_cast %scan3A_291 : i32 to index
        %swap3A_344 = arith.constant 64 : index
        %swap3A_345 = tpu.vector_load %arg8[%swap3A_342, %swap3A_343, %swap3A_344] {strides = array<i32>} : memref<2x64x128xf32, #tpu.memory_space<vmem>>, vector<16xf32>,
        tpu.vector_store %arg8[%swap3A_342, %swap3A_343, %swap3A_344], %gather3A_340 {strides = array<i32>} : memref<2x64x128xf32, #tpu.memory_space<vmem>>, vector<16xf32>,
        %add3A_346 = arith.constant 80 : i32
        %add3A_347 = vector.broadcast %add3A_346 : i32 to vector<16xi32>
        %add3A_348 = arith.addi %add3A_347, %iota3A : vector<16xi32>
        %add3A_349 = vector.broadcast %scan3A_291 : i32 to vector<16xi32>
        %add3A_350 = arith.addi %mul3A_247, %add3A_349 : vector<16xi32>
        %gather3A_351 = tpu.vector_load_idx %arg7[%broadcast_in_dim3A_267, %add3A_348, %add3A_350] : memref<2x128x128xf32, #tpu.memory_space<vmem>>[vector<16xi32>, vector<16xi32>, vector<16xi32>], vector<16xf32>,
        %swap3A_352 = arith.constant 1 : i32
        %swap3A_353 = arith.index_cast %swap3A_352 : i32 to index
        %swap3A_354 = arith.index_cast %scan3A_291 : i32 to index
        %swap3A_355 = arith.constant 80 : index
        %swap3A_356 = tpu.vector_load %arg8[%swap3A_353, %swap3A_354, %swap3A_355] {strides = array<i32>} : memref<2x64x128xf32, #tpu.memory_space<vmem>>, vector<16xf32>,
        tpu.vector_store %arg8[%swap3A_353, %swap3A_354, %swap3A_355], %gather3A_351 {strides = array<i32>} : memref<2x64x128xf32, #tpu.memory_space<vmem>>, vector<16xf32>,
        %add3A_357 = arith.constant 96 : i32
        %add3A_358 = vector.broadcast %add3A_357 : i32 to vector<16xi32>
        %add3A_359 = arith.addi %add3A_358, %iota3A : vector<16xi32>
        %add3A_360 = vector.broadcast %scan3A_291 : i32 to vector<16xi32>
        %add3A_361 = arith.addi %mul3A_256, %add3A_360 : vector<16xi32>
        %gather3A_362 = tpu.vector_load_idx %arg7[%broadcast_in_dim3A_267, %add3A_359, %add3A_361] : memref<2x128x128xf32, #tpu.memory_space<vmem>>[vector<16xi32>, vector<16xi32>, vector<16xi32>], vector<16xf32>,
        %swap3A_363 = arith.constant 1 : i32
        %swap3A_364 = arith.index_cast %swap3A_363 : i32 to index
        %swap3A_365 = arith.index_cast %scan3A_291 : i32 to index
        %swap3A_366 = arith.constant 96 : index
        %swap3A_367 = tpu.vector_load %arg8[%swap3A_364, %swap3A_365, %swap3A_366] {strides = array<i32>} : memref<2x64x128xf32, #tpu.memory_space<vmem>>, vector<16xf32>,
        tpu.vector_store %arg8[%swap3A_364, %swap3A_365, %swap3A_366], %gather3A_362 {strides = array<i32>} : memref<2x64x128xf32, #tpu.memory_space<vmem>>, vector<16xf32>,
        %add3A_368 = arith.constant 112 : i32
        %add3A_369 = vector.broadcast %add3A_368 : i32 to vector<16xi32>
        %add3A_370 = arith.addi %add3A_369, %iota3A : vector<16xi32>
        %add3A_371 = vector.broadcast %scan3A_291 : i32 to vector<16xi32>
        %add3A_372 = arith.addi %mul3A_265, %add3A_371 : vector<16xi32>
        %gather3A_373 = tpu.vector_load_idx %arg7[%broadcast_in_dim3A_267, %add3A_370, %add3A_372] : memref<2x128x128xf32, #tpu.memory_space<vmem>>[vector<16xi32>, vector<16xi32>, vector<16xi32>], vector<16xf32>,
        %swap3A_374 = arith.constant 1 : i32
        %swap3A_375 = arith.index_cast %swap3A_374 : i32 to index
        %swap3A_376 = arith.index_cast %scan3A_291 : i32 to index
        %swap3A_377 = arith.constant 112 : index
        %swap3A_378 = tpu.vector_load %arg8[%swap3A_375, %swap3A_376, %swap3A_377] {strides = array<i32>} : memref<2x64x128xf32, #tpu.memory_space<vmem>>, vector<16xf32>,
        tpu.vector_store %arg8[%swap3A_375, %swap3A_376, %swap3A_377], %gather3A_373 {strides = array<i32>} : memref<2x64x128xf32, #tpu.memory_space<vmem>>, vector<16xf32>,
        %scan3A_379 = arith.constant 0 : i32
        scf.yield %scan3A_379 : i32
      }
      %scan3A_274 = arith.constant 64 : i32
      %dma_start3A_275 = arith.constant 1 : i32
      %dma_start3A_276 = arith.constant 0 : i32
      %dma_start3A_277 = arith.constant 0 : i32
      %dma_start3A_278 = tpu.memref_slice %arg8[%dma_start3A_275, %dma_start3A_276, %dma_start3A_277] : memref<2x64x128xf32, #tpu.memory_space<vmem>> -> memref<1x64x128xf32, #tpu.memory_space<vmem>>
      %dma_start3A_279 = tpu.memref_squeeze %dma_start3A_278 : memref<1x64x128xf32, #tpu.memory_space<vmem>> -> memref<64x128xf32, #tpu.memory_space<vmem>>
      %dma_start3A_280 = arith.constant 0 : i32
      %dma_start3A_281 = tpu.memref_slice %arg4[%add3A_175, %dma_start3A_280, %mul3A_2] : memref<200x64x4096xf32, #tpu.memory_space<hbm>> -> memref<1x64x128xf32, #tpu.memory_space<hbm>>
      %dma_start3A_282 = tpu.memref_squeeze %dma_start3A_281 : memref<1x64x128xf32, #tpu.memory_space<hbm>> -> memref<64x128xf32, #tpu.memory_space<hbm>>
      %dma_start3A_283 = arith.constant 0 : i32
      %dma_start3A_284 = tpu.memref_slice %arg4[%add3A_175, %dma_start3A_283, %mul3A_2] : memref<200x64x4096xf32, #tpu.memory_space<hbm>> -> memref<1x64x128xf32, #tpu.memory_space<hbm>>
      %dma_start3A_285 = tpu.memref_squeeze %dma_start3A_284 : memref<1x64x128xf32, #tpu.memory_space<hbm>> -> memref<64x128xf32, #tpu.memory_space<hbm>>
      %dma_start3A_286 = arith.constant 0 : i32
      %dma_start3A_287 = arith.constant 0 : i32
      %dma_start3A_288 = tpu.memref_slice %arg8[%dma_start3A_275, %dma_start3A_286, %dma_start3A_287] : memref<2x64x128xf32, #tpu.memory_space<vmem>> -> memref<1x64x128xf32, #tpu.memory_space<vmem>>
      %dma_start3A_289 = tpu.memref_squeeze %dma_start3A_288 : memref<1x64x128xf32, #tpu.memory_space<vmem>> -> memref<64x128xf32, #tpu.memory_space<vmem>>
      tpu.enqueue_dma source(%dma_start3A_289 : memref<64x128xf32, #tpu.memory_space<vmem>>) target(%dma_start3A_285 : memref<64x128xf32, #tpu.memory_space<hbm>>) target_semaphore(%arg12 : memref<!tpu.dma_semaphore, #tpu.memory_space<semaphore_mem>>)
      %scan3A_290 = arith.constant 0 : i32
      scf.yield %scan3A_290 : i32
    }
    %scan3A_26 = arith.constant 100 : i32
    %dma_wait3A = arith.constant 0 : i32
    %dma_wait3A_27 = arith.constant 198 : i32
    %dma_wait3A_28 = arith.constant 0 : i32
    %dma_wait3A_29 = arith.constant 0 : i32
    %dma_wait3A_30 = tpu.memref_slice %arg8[%dma_wait3A, %dma_wait3A_28, %dma_wait3A_29] : memref<2x64x128xf32, #tpu.memory_space<vmem>> -> memref<1x64x128xf32, #tpu.memory_space<vmem>>
    %dma_wait3A_31 = tpu.memref_squeeze %dma_wait3A_30 : memref<1x64x128xf32, #tpu.memory_space<vmem>> -> memref<64x128xf32, #tpu.memory_space<vmem>>
    %dma_wait3A_32 = arith.constant 0 : i32
    %dma_wait3A_33 = tpu.memref_slice %arg4[%dma_wait3A_27, %dma_wait3A_32, %mul3A_2] : memref<200x64x4096xf32, #tpu.memory_space<hbm>> -> memref<1x64x128xf32, #tpu.memory_space<hbm>>
    %dma_wait3A_34 = tpu.memref_squeeze %dma_wait3A_33 : memref<1x64x128xf32, #tpu.memory_space<hbm>> -> memref<64x128xf32, #tpu.memory_space<hbm>>
    %dma_wait3A_35 = arith.constant 0 : i32
    %dma_wait3A_36 = tpu.memref_slice %arg4[%dma_wait3A_27, %dma_wait3A_35, %mul3A_2] : memref<200x64x4096xf32, #tpu.memory_space<hbm>> -> memref<1x64x128xf32, #tpu.memory_space<hbm>>
    %dma_wait3A_37 = tpu.memref_squeeze %dma_wait3A_36 : memref<1x64x128xf32, #tpu.memory_space<hbm>> -> memref<64x128xf32, #tpu.memory_space<hbm>>
    %dma_wait3A_38 = arith.constant 0 : i32
    %dma_wait3A_39 = arith.constant 0 : i32
    %dma_wait3A_40 = tpu.memref_slice %arg8[%dma_wait3A, %dma_wait3A_38, %dma_wait3A_39] : memref<2x64x128xf32, #tpu.memory_space<vmem>> -> memref<1x64x128xf32, #tpu.memory_space<vmem>>
    %dma_wait3A_41 = tpu.memref_squeeze %dma_wait3A_40 : memref<1x64x128xf32, #tpu.memory_space<vmem>> -> memref<64x128xf32, #tpu.memory_space<vmem>>
    tpu.wait_dma2 semaphore(%arg11 : memref<!tpu.dma_semaphore, #tpu.memory_space<semaphore_mem>>) src(%dma_wait3A_41 : memref<64x128xf32, #tpu.memory_space<vmem>>) dst(%dma_wait3A_37 : memref<64x128xf32, #tpu.memory_space<hbm>>)
    %dma_wait3A_42 = arith.constant 1 : i32
    %dma_wait3A_43 = arith.constant 199 : i32
    %dma_wait3A_44 = arith.constant 0 : i32
    %dma_wait3A_45 = arith.constant 0 : i32
    %dma_wait3A_46 = tpu.memref_slice %arg8[%dma_wait3A_42, %dma_wait3A_44, %dma_wait3A_45] : memref<2x64x128xf32, #tpu.memory_space<vmem>> -> memref<1x64x128xf32, #tpu.memory_space<vmem>>
    %dma_wait3A_47 = tpu.memref_squeeze %dma_wait3A_46 : memref<1x64x128xf32, #tpu.memory_space<vmem>> -> memref<64x128xf32, #tpu.memory_space<vmem>>
    %dma_wait3A_48 = arith.constant 0 : i32
    %dma_wait3A_49 = tpu.memref_slice %arg4[%dma_wait3A_43, %dma_wait3A_48, %mul3A_2] : memref<200x64x4096xf32, #tpu.memory_space<hbm>> -> memref<1x64x128xf32, #tpu.memory_space<hbm>>
    %dma_wait3A_50 = tpu.memref_squeeze %dma_wait3A_49 : memref<1x64x128xf32, #tpu.memory_space<hbm>> -> memref<64x128xf32, #tpu.memory_space<hbm>>
    %dma_wait3A_51 = arith.constant 0 : i32
    %dma_wait3A_52 = tpu.memref_slice %arg4[%dma_wait3A_43, %dma_wait3A_51, %mul3A_2] : memref<200x64x4096xf32, #tpu.memory_space<hbm>> -> memref<1x64x128xf32, #tpu.memory_space<hbm>>
    %dma_wait3A_53 = tpu.memref_squeeze %dma_wait3A_52 : memref<1x64x128xf32, #tpu.memory_space<hbm>> -> memref<64x128xf32, #tpu.memory_space<hbm>>
    %dma_wait3A_54 = arith.constant 0 : i32
    %dma_wait3A_55 = arith.constant 0 : i32
    %dma_wait3A_56 = tpu.memref_slice %arg8[%dma_wait3A_42, %dma_wait3A_54, %dma_wait3A_55] : memref<2x64x128xf32, #tpu.memory_space<vmem>> -> memref<1x64x128xf32, #tpu.memory_space<vmem>>
    %dma_wait3A_57 = tpu.memref_squeeze %dma_wait3A_56 : memref<1x64x128xf32, #tpu.memory_space<vmem>> -> memref<64x128xf32, #tpu.memory_space<vmem>>
    tpu.wait_dma2 semaphore(%arg12 : memref<!tpu.dma_semaphore, #tpu.memory_space<semaphore_mem>>) src(%dma_wait3A_57 : memref<64x128xf32, #tpu.memory_space<vmem>>) dst(%dma_wait3A_53 : memref<64x128xf32, #tpu.memory_space<hbm>>)
    return
  }
}

</mosaic_0001>

<sc_bundles>
// kernel: kernel.3.cloned.1.call-start
scs
__scs_entry_jumppad:
0x0: {  	(pc) =	sbr.rel $0x88, $3  }
0x1: {  	(tag) =	ssettag $0x0;
	lr =	simm.s32 $0x1  }
0x2: {  	[smem:$0x3F9F] =	sst lr;
	_ =	strace $0xD0000000  }
0x3: {  	_ = 	snop  }
0x4: {  	_ = 	snop  }
0x5: {  	_ = 	snop  }
0x6: {  	_ = 	snop  }
0x7: {  	_ = 	snop  }
__scs_overlays_trampoline_lowered:
0x8: {  	[smem:$0x3FAE] =	sst s0  }
0x9: {  	[smem:$0x3FAF] =	sst s1  }
0xa: {  	[smem:$0x3FB0] =	sst s2  }
0xb: {  	[smem:$0x3FB1] =	sst s3  }
0xc: {  	[smem:$0x3FB2] =	sst s4  }
0xd: {  	[smem:$0x3FB3] =	sst s5  }
0xe: {  	[smem:$0x3FB4] =	sst s6  }
0xf: {  	[smem:$0x3FB5] =	sst s7  }
0x10: {  	[smem:$0x3FB6] =	sst s8  }
0x11: {  	[smem:$0x3FB7] =	sst s9;
	s0 =	simm.s32 @!p0 $0x0  }
0x12: {  	s1 =	sld [smem:$0x3F9D];
	s0 =	simm.s32 @p0 $0x1  }
0x13: {  	[smem:$0x3FB8] =	sst s0;
	s0 =	simm.s32 @!p1 $0x0  }
0x14: {  	s2 =	sld [smem:$0x3F9C];
	s0 =	simm.s32 @p1 $0x1  }
0x15: {  	[smem:$0x3FB9] =	sst s0;
	s0 =	simm.s32 @!p2 $0x0  }
0x16: {  	s3 =	sld [smem:$0x3FDB];
	s0 =	simm.s32 @p2 $0x1  }
0x17: {  	s4 =	simm.s32 $0x1BF5;
	[smem:$0x3FBB] =	sst s0  }
0x18: {  	s0 =	sld [smem:$0x3F9E];
	_ =	swait.ge [sflag:s4], $0x0  }
0x19: {  	s7 =	sld [smem:$0x3F9F]  }
0x1a: {  	s8 =	sadd.s32 $0xFFFFE003, lr  }
0x1b: {  	s9 =	sadd.s32 $0xFFFFFEF7, lr;
	s5 =	simm.s32 $0xFFFFFFFF;
	p2 =	slt.u32 s8, $0xFFFFF086  }
0x1c: {  	p1 =	slt.u32 s9, $0xF7A;
	s5 =	simm.s32 @!p2 $0x0  }
0x1d: {  	s5 =	simm.s32 @p1 $0x1;
	p0 =	seq.s32 s7, s2  }
0x1e: {  	s7 =	smul.u32 @!p0 $0xF7A, s2;
	p2 =	seq.s32 @!p0 s5, $0x0  }
0x1f: {  	s9 =	smul.u32 $0xF7A, s1;
	s8 =	simm.s32 @!p0 $0x1BF5;
	p2 =	por !p2, p0  }
0x20: {  	[sflag:s8] =	ssyncset.s32 @!p0 $0xFFFFF086;
	s6 =	sadd.s32 @!p0 s3, s7;
	s7 =	simm.s32 @!p0 $0x108  }
0x21: {  	s3 =	sadd.s32 s3, s9;
	s6 =	sadd.s32 @!p0 $0x88, s6;
	s7 =	simm.s32 @p2 $0x1082  }
0x22: {  	[simem:s7], [sflag:s8] =	dma.local @!p0 [hbm:s6], $0xF7A  }
0x23: {  	s9 =	sor.u32 $0xD0000000, s2;
	s6 =	simm.s32 $0x108;
	_ =	swait.ge @!p0 [sflag:s8], $0x0  }
0x24: {  	s3 =	sadd.s32 $0x88, s3;
	s6 =	simm.s32 @!p1 $0x1082;
	[sflag:s4] =	ssyncset.s32 $0xFFFFF086  }
0x25: {  	[simem:s6], [sflag:s4] =	dma.local [hbm:s3], $0xF7A  }
0x26: {  	[smem:$0x3F9F] =	sst s1;
	(tag) =	ssettag s2;
	_ =	strace s9  }
0x27: {  	s1 =	sld [smem:$0x3FAF]  }
0x28: {  	s2 =	sld [smem:$0x3FB0]  }
0x29: {  	s4 =	sld [smem:$0x3FB2]  }
0x2a: {  	p0 =	seq.s32 s5, $0x0;
	s5 =	sld [smem:$0x3FB3]  }
0x2b: {  	s6 =	sld [smem:$0x3FB4]  }
0x2c: {  	s7 =	sld [smem:$0x3FB5]  }
0x2d: {  	s3 =	simm.s32 $0x108;
	s8 =	sld [smem:$0x3FB6]  }
0x2e: {  	s3 =	simm.s32 @!p0 $0x1082;
	s9 =	sld [smem:$0x3FB7]  }
0x2f: {  	lr =	sadd.s32 s0, s3;
	s0 =	sld [smem:$0x3FAE]  }
0x30: {  	s3 =	sld [smem:$0x3FB1]  }
0x31: {  	[smem:$0x3FBA] =	sst s10  }
0x32: {  	s10 =	sld [smem:$0x3FB8];
	_ =	sdelay $0x3  }
0x33: {  	p0 =	seq.s32 s10, $0x1;
	s10 =	sld [smem:$0x3FBA];
	_ =	sdelay $0x3  }
0x34: {  	[smem:$0x3FBA] =	sst s10  }
0x35: {  	s10 =	sld [smem:$0x3FB9];
	_ =	sdelay $0x3  }
0x36: {  	p1 =	seq.s32 s10, $0x1;
	s10 =	sld [smem:$0x3FBA];
	_ =	sdelay $0x3  }
0x37: {  	[smem:$0x3FBA] =	sst s10  }
0x38: {  	s10 =	sld [smem:$0x3FBB]  }
0x39: {  	_ = 	snop;
	(pc) =	sbr.ind lr, $3  }
0x3a: {  	_ = 	snop  }
0x3b: {  	_ = 	snop  }
0x3c: {  	p2 =	seq.s32 s10, $0x1;
	s10 =	sld [smem:$0x3FBA]  }
0x3d: {  	_ =	shalt  }
0x3e: {  	_ =	shalt  }
0x3f: {  	_ =	shalt  }
0x40: {  	_ =	shalt  }
0x41: {  	_ =	shalt  }
0x42: {  	_ =	shalt  }
0x43: {  	_ =	shalt  }
0x44: {  	_ =	shalt  }
0x45: {  	_ =	shalt  }
0x46: {  	_ =	shalt  }
0x47: {  	_ =	shalt  }
0x48: {  	_ =	shalt  }
0x49: {  	_ =	shalt  }
0x4a: {  	_ =	shalt  }
0x4b: {  	_ =	shalt  }
0x4c: {  	_ =	shalt  }
0x4d: {  	_ =	shalt  }
0x4e: {  	_ =	shalt  }
0x4f: {  	_ =	shalt  }
0x50: {  	_ =	shalt  }
0x51: {  	_ =	shalt  }
0x52: {  	_ =	shalt  }
0x53: {  	_ =	shalt  }
0x54: {  	_ =	shalt  }
0x55: {  	_ =	shalt  }
0x56: {  	_ =	shalt  }
0x57: {  	_ =	shalt  }
0x58: {  	_ =	shalt  }
0x59: {  	_ =	shalt  }
0x5a: {  	_ =	shalt  }
0x5b: {  	_ =	shalt  }
0x5c: {  	_ =	shalt  }
0x5d: {  	_ =	shalt  }
0x5e: {  	_ =	shalt  }
0x5f: {  	_ =	shalt  }
0x60: {  	_ =	shalt  }
0x61: {  	_ =	shalt  }
0x62: {  	_ =	shalt  }
0x63: {  	_ =	shalt  }
0x64: {  	_ =	shalt  }
0x65: {  	_ =	shalt  }
0x66: {  	_ =	shalt  }
0x67: {  	_ =	shalt  }
0x68: {  	_ =	shalt  }
0x69: {  	_ =	shalt  }
0x6a: {  	_ =	shalt  }
0x6b: {  	_ =	shalt  }
0x6c: {  	_ =	shalt  }
0x6d: {  	_ =	shalt  }
0x6e: {  	_ =	shalt  }
0x6f: {  	_ =	shalt  }
0x70: {  	_ =	shalt  }
0x71: {  	_ =	shalt  }
0x72: {  	_ =	shalt  }
0x73: {  	_ =	shalt  }
0x74: {  	_ =	shalt  }
0x75: {  	_ =	shalt  }
0x76: {  	_ =	shalt  }
0x77: {  	_ =	shalt  }
0x78: {  	_ =	shalt  }
0x79: {  	_ =	shalt  }
0x7a: {  	_ =	shalt  }
0x7b: {  	_ =	shalt  }
0x7c: {  	_ =	shalt  }
0x7d: {  	_ =	shalt  }
0x7e: {  	_ =	shalt  }
0x7f: {  	_ =	shalt  }
0x80: {  	_ =	shalt  }
0x81: {  	_ =	shalt  }
0x82: {  	_ =	shalt  }
0x83: {  	_ =	shalt  }
0x84: {  	_ =	shalt  }
0x85: {  	_ =	shalt  }
0x86: {  	_ =	shalt  }
0x87: {  	_ =	shalt  }
.Lfunc_end0:
.L_simem_size_0:
called_computation.1_lowered:
.L_overlay_start_0:
0x88: {  	s2 =	sld [smem:$0x3FD9]  }
0x89: {  	s3 =	sld [smem:$0x3FFE];
	_ =	sdelay $0x1  }
0x8a: {  	s1 =	srdreg.scid  }
0x8b: {  	s0 =	sand.u32 $0x1, s1  }
0x8c: {  	s17 =	sshll.u32 s0, $0xA;
	s2 =	sadd.s32 s3, s2  }
0x8d: {  	s2 =	sadd.s32 s2, s17  }
0x8e: {  	[smem:$0x3FC6] =	sst s2  }
0x8f: {  	_ = 	snop  }
0x90: {  	s2 =	sld [smem:$0x3FC9]  }
0x91: {  	s18 =	sld [smem:$0x3FD0];
	(tm) =	ssettm $0x1  }
0x92: {  	s4 =	sld [smem:$0x3FFB];
	_ =	sdelay $0x3  }
0x93: {  	_ =	strace s4  }
0x94: {  	s4 =	sld [smem:$0x3FFC];
	_ =	sdelay $0x3  }
0x95: {  	_ =	strace s4  }
0x96: {  	s4 =	sld [smem:$0x3FFD];
	_ =	sdelay $0x3  }
0x97: {  	_ =	strace s4  }
0x98: {  	_ =	strace $0x8FFFFFFF  }
0x99: {  	s19 =	sld [smem:$0x3FDB];
	_ =	sdelay $0x1  }
0x9a: {  	s5 =	simm.s32 $_scs_section_size  }
0x9b: {  	s6 =	simm.s32 $_size__tile_overlayer_lowered;
	s7 =	simm.s32 $_tile_overlayer_lowered  }
0x9c: {  	s22 =	simm.s32 $0x1BFF;
	s21 =	sshll.u32 s7, $0x1;
	s4 =	sadd.s32 s5, s19  }
0x9d: {  	s8 =	simm.s32 $0x0;
	s20 =	sshll.u32 s6, $0x1;
	s6 =	sadd.s32 s21, s4  }
0x9e: {  	[timem:s8], [sflag:s22] =	dma.local [hbm:s6], s20  }
0x9f: {  	_ =	swait.ge [sflag:s22], s20  }
0xa0: {  	s5 =	ssub.s32 $0x0, s20;
	[sflag:s22] =	ssyncset.done $0x0  }
0xa1: {  	[sflag:s22] =	ssyncadd.s32 s5;
	_ =	sdelay $0x1  }
0xa2: {  	s23 =	simm.s32 $0x1B8B  }
0xa3: {  	_ =	swait.ge [sflag:s23], $0x1  }
0xa4: {  	[sflag:s23] =	ssyncset.done $0x0  }
0xa5: {  	s25 =	simm.s32 $0x1B8E;
	s24 =	sld [smem:$0x3FFE];
	[sflag:s23] =	ssyncadd.s32 $0xFFFFFFFF  }
0xa6: {  	s26 =	simm.s32 $execute0_lowered;
	[smem:$0x3FD2] =	sst s25  }
0xa7: {  	s6 =	sshll.u32 s26, $0x1;
	_ =	strace $0x80000049;
	[dreg:$0x1] =	wrdreg $0xFFFFFFFF  }
0xa8: {  	s28 =	simm.s32 $_size_execute0_lowered;
	s4 =	sadd.s32 s4, s6;
	[dreg:$0x0] =	wrdreg $0x0  }
0xa9: {  	s6 =	sshll.u32 s28, $0x1;
	[dreg:$0x2] =	wrdreg s4  }
0xaa: {  	[dreg:$0x3] =	wrdreg s6  }
0xab: {  	[dreg:$0x4] =	wrdreg $0xC0  }
0xac: {  	_ =	task [dreg:s8], $0x5FFFF  }
0xad: {  	[dreg:$0x1] =	wrdreg $0xFFFFFFFF  }
0xae: {  	[dreg:$0x0] =	wrdreg $0x60  }
0xaf: {  	[dreg:$0x2] =	wrdreg s2  }
0xb0: {  	[dreg:$0x3] =	wrdreg s24  }
0xb1: {  	[dreg:$0x4] =	wrdreg s18  }
0xb2: {  	[dreg:$0x5] =	wrdreg $0x9  }
0xb3: {  	_ =	task.clear_ibuf [dreg:s8], $0x6FFFF;
	_ =	strace $0x90000049  }
0xb4: {  	s29 =	simm.s32 $0x9;
	_ =	strace $0x8000004B  }
0xb5: {  	_ =	swait.ge [sflag:s29], $0x1  }
0xb6: {  	[sflag:s29] =	ssyncadd.s32 $0xFFFFFFFF  }
0xb7: {  	_ =	strace $0x9000004B  }
0xb8: {  	_ =	sfence  }
0xb9: {  	s30 =	sld [smem:$0x0];
	_ =	sdelay $0x2  }
0xba: {  	s31 =	sshll.u32 s1, $0xD;
	s1 =	sshrl.u32 s1, $0x2  }
0xbb: {  	s3 =	sand.u32 $0x4000, s31;
	s1 =	sadd.s32 s1, s30  }
0xbc: {  	s0 =	sor.u32 s3, s0;
	s1 =	sshll.u32 s1, $0x11  }
0xbd: {  	s0 =	sor.u32 s1, s0  }
0xbe: {  	s0 =	sadd.s32 $0x8F2B, s0  }
0xbf: {  	[sflag:s0] =	ssyncadd.remote.s32 $0x1  }
0xc0: {  	_ =	sfence.sel $0xFFFF  }
0xc1: {  	[dreg:$0x0] =	wrdreg $0xFFFFFFFF;
	(pc) =	sbr.abs _section_cstart, $3  }
0xc2: {  	[dreg:$0x1] =	wrdreg $0xFFFFFFFF  }
0xc3: {  	_ =	task.clear_ibuf [dreg:s8], $0x2FFFF;
	_ =	strace $0x9FFFFFFF  }
0xc4: {  	(tm) =	ssettm $0x7FFFFFFF  }
0xc5: {  	_ =	shalt  }
tec
execute0_lowered:
.L_overlay_start_1:
0x0: {  	(tag) =	ssettag $0x1  }
0x1: {  	s6 =	rddreg [dreg:$0x0]  }
0x2: {  	s5 =	rddreg [dreg:$0x1]  }
0x3: {  	s2 =	rddreg [dreg:$0x2];
	s3 =	srdreg.scid  }
0x4: {  	s0 =	rddreg [dreg:$0x3];
	s1 =	stileid.u32;
	s10 =	simm.s32 $0x5  }
0x5: {  	s11 =	simm.s32 $0x80;
	s12 =	simm.s32 $0x6400;
	s13 =	simm.s32 $0xC800  }
0x6: {  	v0 =	vlaneseq.u32;
	s14 =	simm.s32 $0x10800;
	s15 =	simm.s32 $0x1;
	s16 =	simm.s32 $0x14800  }
0x7: {  	s17 =	simm.s32 $0x2;
	s18 =	simm.s32 $0x16800;
	s19 =	simm.s32 $0x3;
	v0 =	vmul.u32 $0x80, v0  }
0x8: {  	s20 =	simm.s32 $0x4;
	s21 =	simm.s32 $0x0;
	s4 =	sand.u32 $0x1, s3  }
0x9: {  	s3 =	simm.s32 $0x0;
	s7 =	sshll.u32 s1, $0xB;
	s5 =	sadd.s32 $0x800, s5;
	v1 =	vor.u32 $0x800, v0;
	v2 =	vor.u32 $0x1000, v0;
	v3 =	vor.u32 $0x1800, v0  }
0xa: {  	s8 =	sshll.u32 s4, $0xA;
	[smem:$0x7FF] =	sst s3;
	s9 =	ssub.s32 $0x2, s4;
	v4 =	vor.u32 $0x2000, v0;
	v5 =	vor.u32 $0x2800, v0;
	v6 =	vor.u32 $0x3000, v0  }
0xb: {  	s4 =	sor.u32 s8, s7;
	_ =	strace $0x8000004A;
	s31 =	sshrl.u32 s9, $0x1;
	v7 =	vor.u32 $0x3800, v0;
	v8 =	vor.u32 $0x4000, v0;
	v9 =	vor.u32 $0x4800, v0  }
0xc: {  	v10 =	vor.u32 $0x5000, v0;
	v11 =	vor.u32 $0x5800, v0;
	v12 =	vor.u32 $0x6000, v0;
	s8 =	sshrl.u32 s4, $0x3;
	s7 =	ssub.s32 s9, s31;
	s9 =	simm.s32 $0x8000  }
0xd: {  	v13 =	vor.u32 $0x6800, v0;
	v14 =	vor.u32 $0x7000, v0;
	v15 =	vor.u32 $0x7800, v0;
	s6 =	sadd.s32 s6, s8;
	s7 =	smax.u32 s7, $0x1;
	s8 =	simm.s32 $0x400  }
.LBB2_1:
0xe: {  	[tilespmem:s3], [sflag:$0x5] =	stream.strided.gather [hbm4b:s6+s8], $0x6400, s9, s8, $0x38;
	[tilespmem:$0x18800] =	vst v63  }
0xf: {  	_ =	swait.ge [sflag:s10], $0x6400  }
0x10: {  	[sflag:s10] =	ssyncset.done $0x0  }
0x11: {  	s22 =	simm.s32 $0x0;
	[sflag:s10] =	ssyncadd.s32 $0xFFFF9C00  }
0x12: {  	s23 =	simm.s32 $0x40;
	v16 =	vld [tilespmem:s22+$0x0]  }
.LBB2_2:
0x13: {  	p0 =	sne.s32 s23, $0x18FC0  }
.Ltmp0:
0x14: {  	_ = 	snop;
	(pc) =	sbr.rel @p0 .LBB2_2-.Ltmp0, $3  }
0x15: {  	_ =	sdelay $0x1  }
0x16: {  	s24 =	sshra.s32 s23, $0x2;
	s23 =	sadd.s32 $0x40, s23;
	v17 =	vshrl.u32 v16, $0x1  }
0x17: {  	v16 =	vld [tilespmem:s24+$0x0];
	[tilespmem:s22+$0x6400] =	vst v17;
	s22 =	smov.u32 s24  }
0x18: {  	_ =	sdelay $0x3  }
0x19: {  	v16 =	vshrl.u32 v16, $0x1  }
0x1a: {  	s23 =	simm.s32 $0x0;
	[tilespmem:s22+$0x6400] =	vst v16;
	s22 =	simm.s32 $0x0  }
0x1b: {  	[tilespmem:s13], [sflag:$0x1] =	stream.indirect.gather [hbm4b:s5+s11], $0x80, s12, s11, $0xb8;
	[tilespmem:$0x18800] =	vst v63  }
.LBB2_4:
0x1c: {  	p0 =	seq.s32 s23, $0x0  }
0x1d: {  	s24 =	sshllo.u32 s23, $0x1;
	s26 =	simm.s32 @!p0 $0x4  }
0x1e: {  	s25 =	sshll.u32 s24, $0x9;
	_ =	swait.ge @!p0 [sflag:s26], $0x2000  }
0x1f: {  	s25 =	sshrl.u32 s25, $0x2;
	[sflag:s26] =	ssyncset.done @!p0 $0x0  }
0x20: {  	s31 =	sadd.s32 $0x6400, s25;
	[sflag:s26] =	ssyncadd.s32 @!p0 $0xFFFFE000  }
0x21: {  	[tilespmem:s14], [sflag:$0x2] =	stream.indirect.gather [hbm4b:s5+s11], $0x80, s31, s11, $0xb8;
	[tilespmem:$0x18800] =	vst v63  }
0x22: {  	_ =	swait.ge [sflag:s15], $0x4000  }
0x23: {  	s26 =	sshll.u32 s23, $0xA;
	[sflag:s15] =	ssyncset.done $0x0  }
0x24: {  	s28 =	sshrl.u32 s26, $0x2;
	[sflag:s15] =	ssyncadd.s32 $0xFFFFC000  }
0x25: {  	v16 =	vld [tilespmem:s28+$0x0];
	_ =	sdelay $0x4  }
0x26: {  	v16 =	vshll.u32 v16, $0x6  }
0x27: {  	v17 =	vld [tilespmem:s28+$0x10];
	v16 =	vand.u32 $0x40, v16  }
0x28: {  	v16 =	vor.u32 v0, v16  }
0x29: {  	v18 =	vor.u32 s22, v16;
	_ =	sdelay $0x2  }
0x2a: {  	v19 =	vld [tilespmem:s28+$0x20];
	v17 =	vshll.u32 v17, $0x6  }
0x2b: {  	v20 =	vld [tilespmem:s28+$0x30];
	v17 =	vand.u32 $0x40, v17  }
0x2c: {  	v17 =	vor.u32 v1, v17;
	v18 =	vld.idx.msk [tilespmem:v18+s13+$0x0], $0xffff  }
0x2d: {  	v21 =	vld [tilespmem:s28+$0x40];
	v22 =	vor.u32 s22, v17  }
0x2e: {  	v23 =	vld [tilespmem:s28+$0x50]  }
0x2f: {  	v24 =	vld [tilespmem:s28+$0x60]  }
0x30: {  	v25 =	vld [tilespmem:s28+$0x70];
	s28 =	simm.s32 $0x14840;
	v19 =	vshll.u32 v19, $0x6  }
0x31: {  	v19 =	vand.u32 $0x40, v19;
	[tilespmem:s28+$0xFFFFFFC0] =	vst v18  }
0x32: {  	v18 =	vor.u32 v2, v19;
	v19 =	vld.idx.msk [tilespmem:v22+s13+$0x0], $0xffff  }
0x33: {  	v22 =	vor.u32 s22, v18;
	_ =	sdelay $0x2  }
0x34: {  	v20 =	vshll.u32 v20, $0x6  }
0x35: {  	v20 =	vand.u32 $0x40, v20;
	[tilespmem:s28+$0xFFFFFFD0] =	vst v19  }
0x36: {  	v19 =	vor.u32 v3, v20;
	v20 =	vld.idx.msk [tilespmem:v22+s13+$0x0], $0xffff  }
0x37: {  	v22 =	vor.u32 s22, v19;
	_ =	sdelay $0x2  }
0x38: {  	v21 =	vshll.u32 v21, $0x6  }
0x39: {  	v21 =	vand.u32 $0x40, v21;
	[tilespmem:s28+$0xFFFFFFE0] =	vst v20  }
0x3a: {  	v20 =	vor.u32 v4, v21;
	v21 =	vld.idx.msk [tilespmem:v22+s13+$0x0], $0xffff  }
0x3b: {  	v22 =	vor.u32 s22, v20;
	_ =	sdelay $0x2  }
0x3c: {  	v23 =	vshll.u32 v23, $0x6  }
0x3d: {  	v23 =	vand.u32 $0x40, v23;
	[tilespmem:s28+$0xFFFFFFF0] =	vst v21  }
0x3e: {  	v21 =	vor.u32 v5, v23;
	v22 =	vld.idx.msk [tilespmem:v22+s13+$0x0], $0xffff  }
0x3f: {  	v23 =	vor.u32 s22, v21;
	_ =	sdelay $0x2  }
0x40: {  	v24 =	vshll.u32 v24, $0x6  }
0x41: {  	v24 =	vand.u32 $0x40, v24;
	[tilespmem:s28+$0x0] =	vst v22  }
0x42: {  	v22 =	vor.u32 v6, v24;
	v23 =	vld.idx.msk [tilespmem:v23+s13+$0x0], $0xffff  }
0x43: {  	v24 =	vor.u32 s22, v22;
	_ =	sdelay $0x2  }
0x44: {  	v25 =	vshll.u32 v25, $0x6  }
0x45: {  	v25 =	vand.u32 $0x40, v25;
	[tilespmem:s28+$0x10] =	vst v23  }
0x46: {  	v23 =	vor.u32 v7, v25;
	v24 =	vld.idx.msk [tilespmem:v24+s13+$0x0], $0xffff  }
0x47: {  	v25 =	vor.u32 s22, v23;
	_ =	sdelay $0x3  }
0x48: {  	[tilespmem:s28+$0x20] =	vst v24  }
0x49: {  	s29 =	simm.s32 $0x1;
	v24 =	vld.idx.msk [tilespmem:v25+s13+$0x0], $0xffff  }
0x4a: {  	s30 =	simm.s32 $0x2;
	v25 =	vor.u32 s29, v16  }
.LBB2_5:
0x4b: {  	p0 =	sne.s32 s30, $0x3F;
	_ =	sdelay $0x2  }
0x4c: {  	[tilespmem:s28+$0x30] =	vst v24  }
0x4d: {  	v24 =	vld.idx.msk [tilespmem:v25+s13+$0x0], $0xffff;
	_ =	sdelay $0x1  }
0x4e: {  	v25 =	vor.u32 s29, v17;
	_ =	sdelay $0x2  }
0x4f: {  	s28 =	sadd.s32 $0x80, s28  }
0x50: {  	[tilespmem:s28+$0xFFFFFFC0] =	vst v24  }
0x51: {  	v24 =	vld.idx.msk [tilespmem:v25+s13+$0x0], $0xffff;
	_ =	sdelay $0x1  }
0x52: {  	v25 =	vor.u32 s29, v18;
	_ =	sdelay $0x3  }
0x53: {  	[tilespmem:s28+$0xFFFFFFD0] =	vst v24  }
0x54: {  	v24 =	vld.idx.msk [tilespmem:v25+s13+$0x0], $0xffff;
	_ =	sdelay $0x1  }
0x55: {  	v25 =	vor.u32 s29, v19;
	_ =	sdelay $0x3  }
0x56: {  	[tilespmem:s28+$0xFFFFFFE0] =	vst v24  }
0x57: {  	v24 =	vld.idx.msk [tilespmem:v25+s13+$0x0], $0xffff;
	_ =	sdelay $0x1  }
0x58: {  	v25 =	vor.u32 s29, v20;
	_ =	sdelay $0x3  }
0x59: {  	[tilespmem:s28+$0xFFFFFFF0] =	vst v24  }
0x5a: {  	v24 =	vld.idx.msk [tilespmem:v25+s13+$0x0], $0xffff;
	_ =	sdelay $0x1  }
0x5b: {  	v25 =	vor.u32 s29, v21;
	_ =	sdelay $0x3  }
0x5c: {  	[tilespmem:s28+$0x0] =	vst v24  }
0x5d: {  	v24 =	vld.idx.msk [tilespmem:v25+s13+$0x0], $0xffff;
	_ =	sdelay $0x1  }
0x5e: {  	v25 =	vor.u32 s29, v22;
	_ =	sdelay $0x3  }
0x5f: {  	[tilespmem:s28+$0x10] =	vst v24  }
0x60: {  	v24 =	vld.idx.msk [tilespmem:v25+s13+$0x0], $0xffff;
	_ =	sdelay $0x1  }
0x61: {  	v25 =	vor.u32 s29, v23;
	s29 =	smov.u32 s30;
	_ =	sdelay $0x2  }
.Ltmp1:
0x62: {  	(pc) =	sbr.rel @p0 .LBB2_5-.Ltmp1, $3  }
0x63: {  	[tilespmem:s28+$0x20] =	vst v24  }
0x64: {  	v24 =	vld.idx.msk [tilespmem:v25+s13+$0x0], $0xffff;
	_ =	sdelay $0x1  }
0x65: {  	s30 =	sadd.s32 $0x1, s30;
	v25 =	vor.u32 s29, v16  }
0x66: {  	_ =	sdelay $0x2  }
0x67: {  	[tilespmem:s28+$0x30] =	vst v24  }
0x68: {  	v16 =	vld.idx.msk [tilespmem:v25+s13+$0x0], $0xffff  }
0x69: {  	v17 =	vor.u32 s29, v17;
	_ =	sdelay $0x2  }
0x6a: {  	s28 =	sadd.s32 $0x80, s28  }
0x6b: {  	[tilespmem:s28+$0xFFFFFFC0] =	vst v16  }
0x6c: {  	v16 =	vld.idx.msk [tilespmem:v17+s13+$0x0], $0xffff  }
0x6d: {  	v17 =	vor.u32 s29, v18;
	_ =	sdelay $0x3  }
0x6e: {  	[tilespmem:s28+$0xFFFFFFD0] =	vst v16  }
0x6f: {  	v16 =	vld.idx.msk [tilespmem:v17+s13+$0x0], $0xffff  }
0x70: {  	v17 =	vor.u32 s29, v19;
	_ =	sdelay $0x3  }
0x71: {  	[tilespmem:s28+$0xFFFFFFE0] =	vst v16  }
0x72: {  	v16 =	vld.idx.msk [tilespmem:v17+s13+$0x0], $0xffff  }
0x73: {  	v17 =	vor.u32 s29, v20;
	_ =	sdelay $0x3  }
0x74: {  	[tilespmem:s28+$0xFFFFFFF0] =	vst v16  }
0x75: {  	v16 =	vld.idx.msk [tilespmem:v17+s13+$0x0], $0xffff  }
0x76: {  	v17 =	vor.u32 s29, v21;
	_ =	sdelay $0x3  }
0x77: {  	[tilespmem:s28+$0x0] =	vst v16  }
0x78: {  	v16 =	vld.idx.msk [tilespmem:v17+s13+$0x0], $0xffff  }
0x79: {  	v17 =	vor.u32 s29, v22;
	_ =	sdelay $0x3  }
0x7a: {  	[tilespmem:s28+$0x10] =	vst v16  }
0x7b: {  	v16 =	vld.idx.msk [tilespmem:v17+s13+$0x0], $0xffff  }
0x7c: {  	v17 =	vor.u32 s29, v23;
	_ =	sdelay $0x3  }
0x7d: {  	[tilespmem:s28+$0x20] =	vst v16  }
0x7e: {  	v16 =	vld.idx.msk [tilespmem:v17+s13+$0x0], $0xffff;
	_ =	sdelay $0x1  }
0x7f: {  	s30 =	sshll.u32 s23, $0x13  }
0x80: {  	s29 =	sor.u32 s4, s30  }
0x81: {  	s29 =	sshrl.u32 s29, $0x3  }
0x82: {  	p0 =	seq.s32 s23, $0x63;
	[tilespmem:s28+$0x30] =	vst v16;
	s28 =	sadd.s32 s2, s29  }
0x83: {  	[hbm4b:s28+s8] =	stream.strided.scatter [tilespmem:s16], [sflag:$0x3], $0x2000, s9, s8, $0x38;
	[tilespmem:$0x18800] =	vst v63  }
0x84: {  	s28 =	simm.s32 @!p0 $0x3  }
0x85: {  	s26 =	sshrl.u32 @!p0 s26, $0x2;
	_ =	swait.ge @!p0 [sflag:s28], $0x2000  }
0x86: {  	s26 =	sadd.s32 @!p0 $0x6500, s26;
	[sflag:s28] =	ssyncset.done @!p0 $0x0  }
0x87: {  	s29 =	simm.s32 @!p0 $0xC800;
	[sflag:s28] =	ssyncadd.s32 @!p0 $0xFFFFE000;
	s28 =	simm.s32 @!p0 $0x80  }
0x88: {  	[tilespmem:s29], [sflag:$0x1] =	stream.indirect.gather @!p0 [hbm4b:s5+s28], $0x80, s26, s28, $0xb8;
	[tilespmem:$0x18800] =	vst v63  }
0x89: {  	_ =	swait.ge [sflag:s17], $0x4000  }
0x8a: {  	[sflag:s17] =	ssyncset.done $0x0  }
0x8b: {  	[sflag:s17] =	ssyncadd.s32 $0xFFFFC000  }
0x8c: {  	v16 =	vld [tilespmem:s25+$0x0];
	_ =	sdelay $0x4  }
0x8d: {  	v16 =	vshll.u32 v16, $0x6  }
0x8e: {  	v17 =	vld [tilespmem:s25+$0x10];
	v16 =	vand.u32 $0x40, v16  }
0x8f: {  	s31 =	simm.s32 $0x0;
	v16 =	vor.u32 v8, v16  }
0x90: {  	v18 =	vor.u32 s31, v16;
	_ =	sdelay $0x2  }
0x91: {  	v19 =	vld [tilespmem:s25+$0x20];
	v17 =	vshll.u32 v17, $0x6  }
0x92: {  	v20 =	vld [tilespmem:s25+$0x30];
	v17 =	vand.u32 $0x40, v17  }
0x93: {  	v17 =	vor.u32 v9, v17;
	v18 =	vld.idx.msk [tilespmem:v18+s13+$0x0], $0xffff  }
0x94: {  	v21 =	vld [tilespmem:s25+$0x40];
	v22 =	vor.u32 s31, v17  }
0x95: {  	v23 =	vld [tilespmem:s25+$0x50]  }
0x96: {  	v24 =	vld [tilespmem:s25+$0x60]  }
0x97: {  	v25 =	vld [tilespmem:s25+$0x70];
	s25 =	simm.s32 $0x16870;
	v19 =	vshll.u32 v19, $0x6  }
0x98: {  	v19 =	vand.u32 $0x40, v19;
	[tilespmem:s25+$0xFFFFFF90] =	vst v18  }
0x99: {  	v18 =	vor.u32 v10, v19;
	v19 =	vld.idx.msk [tilespmem:v22+s13+$0x0], $0xffff  }
0x9a: {  	v22 =	vor.u32 s31, v18;
	_ =	sdelay $0x2  }
0x9b: {  	v20 =	vshll.u32 v20, $0x6  }
0x9c: {  	v20 =	vand.u32 $0x40, v20;
	[tilespmem:s25+$0xFFFFFFA0] =	vst v19  }
0x9d: {  	v19 =	vor.u32 v11, v20;
	v20 =	vld.idx.msk [tilespmem:v22+s13+$0x0], $0xffff  }
0x9e: {  	v22 =	vor.u32 s31, v19;
	_ =	sdelay $0x2  }
0x9f: {  	v21 =	vshll.u32 v21, $0x6  }
0xa0: {  	v21 =	vand.u32 $0x40, v21;
	[tilespmem:s25+$0xFFFFFFB0] =	vst v20  }
0xa1: {  	v20 =	vor.u32 v12, v21;
	v21 =	vld.idx.msk [tilespmem:v22+s13+$0x0], $0xffff  }
0xa2: {  	v22 =	vor.u32 s31, v20;
	_ =	sdelay $0x2  }
0xa3: {  	v23 =	vshll.u32 v23, $0x6  }
0xa4: {  	v23 =	vand.u32 $0x40, v23;
	[tilespmem:s25+$0xFFFFFFC0] =	vst v21  }
0xa5: {  	v21 =	vor.u32 v13, v23;
	v22 =	vld.idx.msk [tilespmem:v22+s13+$0x0], $0xffff  }
0xa6: {  	v23 =	vor.u32 s31, v21;
	_ =	sdelay $0x2  }
0xa7: {  	v24 =	vshll.u32 v24, $0x6  }
0xa8: {  	v24 =	vand.u32 $0x40, v24;
	[tilespmem:s25+$0xFFFFFFD0] =	vst v22  }
0xa9: {  	v22 =	vor.u32 v14, v24;
	v23 =	vld.idx.msk [tilespmem:v23+s13+$0x0], $0xffff  }
0xaa: {  	v24 =	vor.u32 s31, v22;
	_ =	sdelay $0x2  }
0xab: {  	v25 =	vshll.u32 v25, $0x6  }
0xac: {  	v25 =	vand.u32 $0x40, v25;
	[tilespmem:s25+$0xFFFFFFE0] =	vst v23  }
0xad: {  	v23 =	vor.u32 v15, v25;
	v24 =	vld.idx.msk [tilespmem:v24+s13+$0x0], $0xffff  }
0xae: {  	v25 =	vor.u32 s31, v23;
	_ =	sdelay $0x3  }
0xaf: {  	[tilespmem:s25+$0xFFFFFFF0] =	vst v24  }
0xb0: {  	s26 =	simm.s32 $0x1;
	v24 =	vld.idx.msk [tilespmem:v25+s13+$0x0], $0xffff  }
0xb1: {  	s28 =	simm.s32 $0x2;
	v25 =	vor.u32 s26, v16  }
.LBB2_7:
0xb2: {  	p0 =	sne.s32 s28, $0x3F;
	_ =	sdelay $0x2  }
0xb3: {  	[tilespmem:s25+$0x0] =	vst v24  }
0xb4: {  	v24 =	vld.idx.msk [tilespmem:v25+s13+$0x0], $0xffff;
	_ =	sdelay $0x1  }
0xb5: {  	v25 =	vor.u32 s26, v17;
	_ =	sdelay $0x2  }
0xb6: {  	s25 =	sadd.s32 $0x80, s25  }
0xb7: {  	[tilespmem:s25+$0xFFFFFF90] =	vst v24  }
0xb8: {  	v24 =	vld.idx.msk [tilespmem:v25+s13+$0x0], $0xffff;
	_ =	sdelay $0x1  }
0xb9: {  	v25 =	vor.u32 s26, v18;
	_ =	sdelay $0x3  }
0xba: {  	[tilespmem:s25+$0xFFFFFFA0] =	vst v24  }
0xbb: {  	v24 =	vld.idx.msk [tilespmem:v25+s13+$0x0], $0xffff;
	_ =	sdelay $0x1  }
0xbc: {  	v25 =	vor.u32 s26, v19;
	_ =	sdelay $0x3  }
0xbd: {  	[tilespmem:s25+$0xFFFFFFB0] =	vst v24  }
0xbe: {  	v24 =	vld.idx.msk [tilespmem:v25+s13+$0x0], $0xffff;
	_ =	sdelay $0x1  }
0xbf: {  	v25 =	vor.u32 s26, v20;
	_ =	sdelay $0x3  }
0xc0: {  	[tilespmem:s25+$0xFFFFFFC0] =	vst v24  }
0xc1: {  	v24 =	vld.idx.msk [tilespmem:v25+s13+$0x0], $0xffff;
	_ =	sdelay $0x1  }
0xc2: {  	v25 =	vor.u32 s26, v21;
	_ =	sdelay $0x3  }
0xc3: {  	[tilespmem:s25+$0xFFFFFFD0] =	vst v24  }
0xc4: {  	v24 =	vld.idx.msk [tilespmem:v25+s13+$0x0], $0xffff;
	_ =	sdelay $0x1  }
0xc5: {  	v25 =	vor.u32 s26, v22;
	_ =	sdelay $0x3  }
0xc6: {  	[tilespmem:s25+$0xFFFFFFE0] =	vst v24  }
0xc7: {  	v24 =	vld.idx.msk [tilespmem:v25+s13+$0x0], $0xffff;
	_ =	sdelay $0x1  }
0xc8: {  	v25 =	vor.u32 s26, v23;
	s26 =	smov.u32 s28;
	_ =	sdelay $0x2  }
.Ltmp2:
0xc9: {  	(pc) =	sbr.rel @p0 .LBB2_7-.Ltmp2, $3  }
0xca: {  	[tilespmem:s25+$0xFFFFFFF0] =	vst v24  }
0xcb: {  	v24 =	vld.idx.msk [tilespmem:v25+s13+$0x0], $0xffff;
	_ =	sdelay $0x1  }
0xcc: {  	s28 =	sadd.s32 $0x1, s28;
	v25 =	vor.u32 s26, v16  }
0xcd: {  	_ =	sdelay $0x2  }
0xce: {  	[tilespmem:s25+$0x0] =	vst v24  }
0xcf: {  	v16 =	vld.idx.msk [tilespmem:v25+s13+$0x0], $0xffff  }
0xd0: {  	v17 =	vor.u32 s26, v17;
	_ =	sdelay $0x2  }
0xd1: {  	s31 =	sadd.s32 $0x80, s25  }
0xd2: {  	[tilespmem:s31+$0xFFFFFF90] =	vst v16  }
0xd3: {  	v16 =	vld.idx.msk [tilespmem:v17+s13+$0x0], $0xffff  }
0xd4: {  	v17 =	vor.u32 s26, v18;
	_ =	sdelay $0x3  }
0xd5: {  	[tilespmem:s31+$0xFFFFFFA0] =	vst v16  }
0xd6: {  	v16 =	vld.idx.msk [tilespmem:v17+s13+$0x0], $0xffff  }
0xd7: {  	v17 =	vor.u32 s26, v19;
	_ =	sdelay $0x3  }
0xd8: {  	[tilespmem:s31+$0xFFFFFFB0] =	vst v16  }
0xd9: {  	v16 =	vld.idx.msk [tilespmem:v17+s13+$0x0], $0xffff  }
0xda: {  	v17 =	vor.u32 s26, v20;
	_ =	sdelay $0x3  }
0xdb: {  	[tilespmem:s31+$0xFFFFFFC0] =	vst v16  }
0xdc: {  	v16 =	vld.idx.msk [tilespmem:v17+s13+$0x0], $0xffff  }
0xdd: {  	v17 =	vor.u32 s26, v21;
	_ =	sdelay $0x3  }
0xde: {  	[tilespmem:s31+$0xFFFFFFD0] =	vst v16  }
0xdf: {  	v16 =	vld.idx.msk [tilespmem:v17+s13+$0x0], $0xffff  }
0xe0: {  	v17 =	vor.u32 s26, v22;
	_ =	sdelay $0x3  }
0xe1: {  	[tilespmem:s31+$0xFFFFFFE0] =	vst v16  }
0xe2: {  	v16 =	vld.idx.msk [tilespmem:v17+s13+$0x0], $0xffff  }
0xe3: {  	v17 =	vor.u32 s26, v23;
	_ =	sdelay $0x3  }
0xe4: {  	[tilespmem:s31+$0xFFFFFFF0] =	vst v16  }
0xe5: {  	s23 =	sadd.s32 $0x1, s23;
	v16 =	vld.idx.msk [tilespmem:v17+s13+$0x0], $0xffff  }
0xe6: {  	p0 =	sne.s32 s23, $0x64  }
.Ltmp3:
0xe7: {  	s24 =	sshll.u32 s24, $0x12;
	(pc) =	sbr.rel @p0 .LBB2_4-.Ltmp3, $4  }
0xe8: {  	s24 =	sor.u32 s4, s24  }
0xe9: {  	s24 =	sshrl.u32 s24, $0x3  }
0xea: {  	s24 =	sadd.s32 s2, s24;
	[tilespmem:s31+$0x0] =	vst v16  }
0xeb: {  	[hbm4b:s24+s8] =	stream.strided.scatter [tilespmem:s18], [sflag:$0x4], $0x2000, s9, s8, $0x38;
	[tilespmem:$0x18800] =	vst v63  }
0xec: {  	s21 =	sadd.s32 $0x1, s21  }
0xed: {  	_ =	swait.ge [sflag:s19], $0x2000;
	p0 =	sne.s32 s21, s7  }
.Ltmp4:
0xee: {  	[sflag:s19] =	ssyncset.done $0x0;
	(pc) =	sbr.rel @p0 .LBB2_1-.Ltmp4, $4  }
0xef: {  	[sflag:s19] =	ssyncadd.s32 $0xFFFFE000  }
0xf0: {  	_ =	swait.ge [sflag:s20], $0x2000  }
0xf1: {  	[sflag:s20] =	ssyncset.done $0x0  }
0xf2: {  	[sflag:s20] =	ssyncadd.s32 $0xFFFFE000  }
0xf3: {  	_ =	sfence.sel $0x180000  }
0xf4: {  	[bflag:$0x0] =	sbarrier.arrive $0xFFFF  }
0xf5: {  	p0 =	sne.s32 s1, $0x0;
	_ =	strace $0x9000004A  }
0xf6: {  	s0 =	sadd.s32 @!p0 $0x100000, s0;
	[bflag:$0x2] =	sbarrier.arrive $0xFFFF  }
0xf7: {  	[sflag:s0] =	ssyncadd.tile.s32 @!p0 $0x1;
	_ =	shalt  }
.Lfunc_end2:
_tile_overlayer_lowered:
.L_overlay_start_2:
0xf8: {  	(tag) =	ssettag $0x2  }
0xf9: {  	s0 =	rddreg [dreg:$0x0];
	s2 =	stileid.u32  }
0xfa: {  	s1 =	rddreg [dreg:$0x1];
	p0 =	sne.s32 s2, $0x0  }
0xfb: {  	s3 =	rddreg [dreg:$0x2];
	[bflag:$0x3] =	sbarrier.arrive $0xFFFF;
	s2 =	simm.s32 @!p0 $0x1C05  }
0xfc: {  	[timem:s3], [sflag:s2] =	dma.local @!p0 [hbm:s0], s1  }
0xfd: {  	s0 =	simm.s32 @!p0 $0x5  }
0xfe: {  	_ =	swait.ge @!p0 [sflag:s0], s1  }
0xff: {  	s1 =	ssub.s32 @!p0 $0x0, s1;
	[sflag:s0] =	ssyncset.done @!p0 $0x0  }
0x100: {  	[sflag:s0] =	ssyncadd.s32 @!p0 s1  }
0x101: {  	[bflag:$0x3] =	sbarrier.arrive $0xFFFF  }
0x102: {  	_ =	shalt  }

// kernel: sparse-core-data-format-call.cloned.1.call-start
scs
called_computation_lowered:
.L_overlay_start_0:
0x0: {  	s1 =	sld [smem:$0x3FD9]  }
0x1: {  	s2 =	sld [smem:$0x3FFE];
	_ =	sdelay $0x1  }
0x2: {  	s3 =	srdreg.scid  }
0x3: {  	s0 =	sand.u32 $0x1, s3  }
0x4: {  	s17 =	sshll.u32 s0, $0xA;
	s1 =	sadd.s32 s2, s1  }
0x5: {  	s1 =	sadd.s32 s1, s17  }
0x6: {  	[smem:$0x3FC6] =	sst s1  }
0x7: {  	_ = 	snop  }
0x8: {  	(tm) =	ssettm $0x1  }
0x9: {  	s18 =	sld [smem:$0x3FFB];
	_ =	sdelay $0x3  }
0xa: {  	_ =	strace s18  }
0xb: {  	s1 =	sld [smem:$0x3FFC];
	_ =	sdelay $0x3  }
0xc: {  	_ =	strace s1  }
0xd: {  	s1 =	sld [smem:$0x3FFD];
	_ =	sdelay $0x3  }
0xe: {  	_ =	strace s1  }
0xf: {  	_ =	strace $0x8FFFFFFF  }
0x10: {  	s19 =	sld [smem:$0x3FDB];
	_ =	sdelay $0x1  }
0x11: {  	s20 =	simm.s32 $_scs_section_size  }
0x12: {  	s4 =	simm.s32 $_size__tile_overlayer_lowered;
	s5 =	simm.s32 $_tile_overlayer_lowered  }
0x13: {  	s23 =	simm.s32 $0x1BFF;
	s22 =	sshll.u32 s5, $0x1;
	s1 =	sadd.s32 s20, s19  }
0x14: {  	s6 =	simm.s32 $0x0;
	s21 =	sshll.u32 s4, $0x1;
	s4 =	sadd.s32 s22, s1  }
0x15: {  	[timem:s6], [sflag:s23] =	dma.local [hbm:s4], s21  }
0x16: {  	_ =	swait.ge [sflag:s23], s21  }
0x17: {  	s2 =	ssub.s32 $0x0, s21;
	[sflag:s23] =	ssyncset.done $0x0  }
0x18: {  	[sflag:s23] =	ssyncadd.s32 s2;
	_ =	sdelay $0x1  }
0x19: {  	s24 =	simm.s32 $0x1B8B  }
0x1a: {  	_ =	swait.ge [sflag:s24], $0x1  }
0x1b: {  	[sflag:s24] =	ssyncset.done $0x0  }
0x1c: {  	s26 =	simm.s32 $0x1B8E;
	s25 =	sld [smem:$0x3FFE];
	[sflag:s24] =	ssyncadd.s32 $0xFFFFFFFF  }
0x1d: {  	s27 =	simm.s32 $execute0_lowered;
	[smem:$0x3FD2] =	sst s26  }
0x1e: {  	s4 =	sshll.u32 s27, $0x1;
	_ =	strace $0x80000046;
	[dreg:$0x1] =	wrdreg $0xFFFFFFFF  }
0x1f: {  	s28 =	simm.s32 $_size_execute0_lowered;
	s1 =	sadd.s32 s1, s4;
	[dreg:$0x0] =	wrdreg $0x0  }
0x20: {  	s4 =	sshll.u32 s28, $0x1;
	[dreg:$0x2] =	wrdreg s1  }
0x21: {  	[dreg:$0x3] =	wrdreg s4  }
0x22: {  	[dreg:$0x4] =	wrdreg $0xC0  }
0x23: {  	_ =	task [dreg:s6], $0x5FFFF  }
0x24: {  	[dreg:$0x1] =	wrdreg $0xFFFFFFFF  }
0x25: {  	[dreg:$0x0] =	wrdreg $0x60  }
0x26: {  	[dreg:$0x2] =	wrdreg s25  }
0x27: {  	[dreg:$0x3] =	wrdreg $0x9  }
0x28: {  	_ =	task.clear_ibuf [dreg:s6], $0x4FFFF;
	_ =	strace $0x90000046  }
0x29: {  	s29 =	simm.s32 $0x9;
	_ =	strace $0x80000048  }
0x2a: {  	_ =	swait.ge [sflag:s29], $0x1  }
0x2b: {  	[sflag:s29] =	ssyncadd.s32 $0xFFFFFFFF  }
0x2c: {  	_ =	strace $0x90000048  }
0x2d: {  	_ =	sfence  }
0x2e: {  	s30 =	sld [smem:$0x0];
	_ =	sdelay $0x2  }
0x2f: {  	s31 =	sshll.u32 s3, $0xD;
	s3 =	sshrl.u32 s3, $0x2  }
0x30: {  	s2 =	sand.u32 $0x4000, s31;
	s1 =	sadd.s32 s3, s30  }
0x31: {  	s0 =	sor.u32 s2, s0;
	s1 =	sshll.u32 s1, $0x11  }
0x32: {  	s0 =	sor.u32 s1, s0  }
0x33: {  	s0 =	sadd.s32 $0x8F2B, s0  }
0x34: {  	[sflag:s0] =	ssyncadd.remote.s32 $0x1  }
0x35: {  	_ =	sfence.sel $0xFFFF  }
0x36: {  	[dreg:$0x0] =	wrdreg $0xFFFFFFFF;
	(pc) =	sbr.abs _section_cstart, $3  }
0x37: {  	[dreg:$0x1] =	wrdreg $0xFFFFFFFF  }
0x38: {  	_ =	task.clear_ibuf [dreg:s6], $0x2FFFF;
	_ =	strace $0x9FFFFFFF  }
0x39: {  	(tm) =	ssettm $0x7FFFFFFF  }
tec
execute0_lowered:
.L_overlay_start_1:
0x0: {  	(tag) =	ssettag $0x1  }
0x1: {  	s0 =	srdreg.scid  }
0x2: {  	s5 =	rddreg [dreg:$0x0];
	s1 =	stileid.u32;
	s4 =	simm.s32 $0x1  }
0x3: {  	s6 =	simm.s32 $0x2;
	s15 =	simm.s32 $0x0;
	p0 =	por $0x0, $0x0  }
0x4: {  	s8 =	simm.s32 $0x80;
	s14 =	simm.s32 $0x0;
	s2 =	sshll.u32 s0, $0x4  }
0x5: {  	s9 =	simm.s32 $0x0;
	s10 =	simm.s32 $0x0;
	s2 =	sand.u32 $0x10, s2  }
.Ltmp0:
0x6: {  	s12 =	simm.s32 $0x0;
	s3 =	sor.u32 s1, s2;
	(pc) =	sbr.rel .LBB1_1-.Ltmp0, $4  }
0x7: {  	s0 =	rddreg [dreg:$0x1];
	_ =	strace $0x80000047;
	s3 =	sshll.u32 s3, $0x7  }
0x8: {  	s13 =	simm.s32 $0x0;
	[sflag:s4] =	ssyncpa.u1 $0x0;
	s7 =	ssub.s32 $0xF4200, s3  }
0x9: {  	s2 =	sadd.s32 $0x800, s5;
	[sflag:s6] =	ssyncpa.u1 $0x0;
	s6 =	sshrl.u32 s7, $0xC  }
0xa: {  	s5 =	sadd.s32 $0x7A1C00, s5;
	s11 =	smov.u32 s3;
	s7 =	sadd.s32 $0x2, s6  }
.LBB1_5:
0xb: {  	p1 =	slt.u32 s13, $0x2  }
0xc: {  	s17 =	smov.u32 s15;
	p2 =	sgt.s32 @!p1 s15, $0xF41C0;
	s16 =	sshra.s32 @!p1 s15, $0x1F  }
0xd: {  	p3 =	sgt.s32 @!p1 s14, $0x40;
	s18 =	sshra.s32 @!p1 s14, $0x1F;
	p2 =	por !p2, p1  }
0xe: {  	s15 =	sand.u32 @!p1 s16, s15;
	p3 =	por !p3, p1;
	s16 =	smov.u32 s14  }
0xf: {  	s14 =	sand.u32 @!p1 s18, s14;
	s17 =	simm.s32 @p2 $0xF41C0;
	s16 =	simm.s32 @p3 $0x40  }
0x10: {  	s15 =	ssub.s32 @!p1 s17, s15;
	s14 =	ssub.s32 @!p1 s16, s14  }
0x11: {  	s18 =	smov.u32 s12;
	s16 =	sadd.s32 @!p1 $0xFFF0BE40, s15;
	s17 =	sadd.s32 @!p1 $0xFFFFFFC0, s14  }
0x12: {  	s15 =	ssub.s32 @!p1 $0xF4240, s15;
	p2 =	sgt.s32 @!p1 s16, $0x7F;
	p3 =	sgt.s32 @!p1 s17, $0x3F  }
0x13: {  	s14 =	ssub.s32 @!p1 $0x80, s14;
	p2 =	por !p2, p1;
	p3 =	por !p3, p1  }
0x14: {  	s16 =	sadd.s32 $0x1000, s11;
	s15 =	simm.s32 @!p2 $0x0;
	s14 =	simm.s32 @!p3 $0x0  }
0x15: {  	p2 =	sgt.s32 s16, $0xF423F;
	s14 =	smul.u32 @!p1 s14, s15;
	s15 =	sadd.s32 $0x40, s12  }
0x16: {  	s18 =	smov.u32 @p2 s15  }
0x17: {  	s16 =	smov.u32 @p2 s3;
	p2 =	sgt.s32 s18, $0x3F  }
0x18: {  	s18 =	simm.s32 @p2 $0x0;
	p2 =	sne.s32 s13, s7  }
.Ltmp1:
0x19: {  	p0 =	por !p0, !p0;
	s17 =	simm.s32 @!p1 $0x2;
	(pc) =	sbr.rel @!p2 .LBB1_6-.Ltmp1, $4  }
0x1a: {  	s15 =	smov.u32 s9;
	s9 =	smov.u32 s11;
	s14 =	sand.u32 @!p1 $0x3FFFFFFF, s14  }
0x1b: {  	s11 =	smov.u32 s16;
	_ =	swait.ge @!p1 [sflag:s17], s14;
	s19 =	ssub.s32 @!p1 $0x0, s14  }
0x1c: {  	s14 =	smov.u32 s10;
	s13 =	sadd.s32 $0x1, s13;
	[sflag:s17] =	ssyncset.done @!p1 $0x0  }
0x1d: {  	s10 =	smov.u32 s12;
	s12 =	smov.u32 s18;
	[sflag:s17] =	ssyncadd.s32 @!p1 s19  }
.LBB1_1:
0x1e: {  	p1 =	sgt.u32 s13, s6  }
0x1f: {  	s16 =	sshrl.u32 @!p1 s12, $0x3  }
0x20: {  	s17 =	sshll.u32 @!p1 s11, $0x3;
	s16 =	smul.u32 @!p1 $0x7A1400, s16  }
0x21: {  	s18 =	sshll.u32 @!p1 s12, $0x7;
	s17 =	sand.u32 @!p1 $0xFFFFFC00, s17  }
0x22: {  	s16 =	sadd.s32 @!p1 s16, s17;
	s17 =	sand.u32 @!p1 $0x380, s18  }
0x23: {  	s18 =	sand.u32 @!p1 $0x7F, s11;
	s16 =	sor.u32 @!p1 s17, s16  }
0x24: {  	s17 =	sor.u32 @!p1 s18, s16  }
0x25: {  	s18 =	smulhi.u32 @!p1 $0x218D6287, s17;
	_ =	sdelay $0x1  }
0x26: {  	s16 =	smulhi.u32 @!p1 $0x218D6287, s16;
	s18 =	sshrl.u32 @!p1 s18, $0x11  }
0x27: {  	s18 =	smul.u32 @!p1 $0xF4280, s18  }
0x28: {  	s19 =	sxor.u32 @!p1 $0xFFFFFFFF, s13;
	s16 =	sshrl.u32 @!p1 s16, $0x11  }
0x29: {  	s19 =	sshll.u32 @!p1 s19, $0xD;
	s16 =	sand.u32 @!p1 $0x3F, s16;
	s17 =	ssub.s32 @!p1 s17, s18  }
0x2a: {  	s16 =	smul.u32 @!p1 $0x1E850, s16;
	s18 =	sshrl.u32 @!p1 s17, $0x3;
	s17 =	sand.u32 @!p1 $0x7, s17  }
0x2b: {  	s19 =	sand.u32 @!p1 $0x2000, s19;
	s18 =	sadd.s32 @!p1 s2, s18;
	s17 =	sshll.u32 @!p1 s17, $0x12  }
0x2c: {  	s16 =	sadd.s32 @!p1 s16, s18;
	s17 =	sor.u32 @!p1 $0x400, s17;
	s18 =	simm.s32 @!p1 $0x7A1400  }
0x2d: {  	[tilespmem:s19], [sflag:$0x1] =	stream.strided.gather @!p1 [hbm4b:s16+s17], $0x2000, s18, s17, $0x38;
	[tilespmem:$0x8100] =	vst v63  }
0x2e: {  	p1 =	seq.s32 s13, $0x0  }
0x2f: {  	p2 =	sge.u32 @!p1 s13, s7  }
0x30: {  	p1 =	por p1, p2  }
.Ltmp2:
0x31: {  	_ = 	snop;
	(pc) =	sbr.rel @p1 .LBB1_5-.Ltmp2, $1  }
0x32: {  	_ =	sdelay $0x3  }
0x33: {  	s16 =	simm.s32 $0x1  }
0x34: {  	_ =	swait.ge [sflag:s4], $0x2000;
	s16 =	simm.s32 @!p0 $0x0  }
0x35: {  	[sflag:s4] =	ssyncset.done $0x0;
	s17 =	sshll.u32 s16, $0xD  }
0x36: {  	[sflag:s4] =	ssyncadd.s32 $0xFFFFE000;
	s17 =	sor.u32 $0x40, s17  }
0x37: {  	s16 =	smul.u32 $0x8200, s16;
	v0 =	vld [tilespmem:s17+$0x30]  }
0x38: {  	v1 =	vld [tilespmem:s17+$0xFFFFFFD0]  }
0x39: {  	s16 =	sshrl.u32 s16, $0x2;
	v5 =	vld [tilespmem:s17+$0xFFFFFFE0]  }
0x3a: {  	v6 =	vld [tilespmem:s17+$0xFFFFFFF0];
	s19 =	sor.u32 $0x4000, s16  }
0x3b: {  	s31 =	sand.u32 $0x1, s13;
	v4 =	vld [tilespmem:s17+$0x0];
	s18 =	sadd.s32 $0x0, s19  }
0x3c: {  	v3 =	vld [tilespmem:s17+$0x10];
	s16 =	smul.u32 $0x8200, s31;
	[tilespmem:s18+$0x1C70 ss:$0x41] =	vst.msk $0xffff, v0  }
0x3d: {  	v2 =	vld [tilespmem:s17+$0x20];
	[tilespmem:s18+$0x410 ss:$0x41] =	vst.msk $0xffff, v1  }
0x3e: {  	s16 =	sshrl.u32 s16, $0x2;
	v1 =	vld [tilespmem:s17+$0xFFFFFFC0];
	[tilespmem:s18+$0x820 ss:$0x41] =	vst.msk $0xffff, v5;
	s17 =	sadd.s32 $0x80, s17  }
0x3f: {  	s20 =	simm.s32 $0x4;
	s21 =	simm.s32 $0x8;
	s16 =	sor.u32 $0x4000, s16;
	[tilespmem:s18+$0xC30 ss:$0x41] =	vst.msk $0xffff, v6;
	v0 =	vld [tilespmem:s17+$0x30]  }
.LBB1_3:
0x40: {  	p1 =	sne.s32 s21, $0xFC;
	v5 =	vld [tilespmem:s17+$0xFFFFFFD0];
	[tilespmem:s18+$0x1040 ss:$0x41] =	vst.msk $0xffff, v4  }
0x41: {  	v6 =	vld [tilespmem:s17+$0xFFFFFFE0];
	[tilespmem:s18+$0x1450 ss:$0x41] =	vst.msk $0xffff, v3  }
0x42: {  	s22 =	sshra.s32 s20, $0x2;
	s20 =	smov.u32 s21;
	v7 =	vld [tilespmem:s17+$0xFFFFFFF0];
	[tilespmem:s18+$0x1860 ss:$0x41] =	vst.msk $0xffff, v2  }
.Ltmp3:
0x43: {  	v4 =	vld [tilespmem:s17+$0x0];
	[tilespmem:s18+$0x0 ss:$0x41] =	vst.msk $0xffff, v1;
	s18 =	sadd.s32 s22, s19;
	(pc) =	sbr.rel @p1 .LBB1_3-.Ltmp3, $4  }
0x44: {  	v3 =	vld [tilespmem:s17+$0x10];
	[tilespmem:s18+$0x1C70 ss:$0x41] =	vst.msk $0xffff, v0  }
0x45: {  	[tilespmem:s18+$0x410 ss:$0x41] =	vst.msk $0xffff, v5;
	v2 =	vld [tilespmem:s17+$0x20]  }
0x46: {  	v1 =	vld [tilespmem:s17+$0xFFFFFFC0];
	[tilespmem:s18+$0x820 ss:$0x41] =	vst.msk $0xffff, v6;
	s17 =	sadd.s32 $0x80, s17  }
0x47: {  	s21 =	sadd.s32 $0x4, s21;
	v0 =	vld [tilespmem:s17+$0x30];
	[tilespmem:s18+$0xC30 ss:$0x41] =	vst.msk $0xffff, v7  }
0x48: {  	s21 =	sshll.u32 s9, $0x7;
	s22 =	sshll.u32 s10, $0x3;
	s20 =	sshra.s32 s20, $0x2  }
0x49: {  	p1 =	sgt.s32 s9, $0xF41C0;
	s30 =	sshra.s32 s9, $0x1F;
	s25 =	sshra.s32 s10, $0x1F  }
0x4a: {  	v5 =	vld [tilespmem:s17+$0xFFFFFFD0];
	s28 =	sshrl.u32 s10, $0x3;
	s23 =	sand.u32 $0xFFFFFC00, s21;
	s22 =	sand.u32 $0xFFFFFC00, s22  }
0x4b: {  	[tilespmem:s18+$0x1040 ss:$0x41] =	vst.msk $0xffff, v4;
	v58 =	vld [tilespmem:s17+$0xFFFFFFE0];
	s21 =	sand.u32 $0x380, s21;
	s19 =	sadd.s32 s20, s19;
	s22 =	sadd.s32 s22, s23  }
0x4c: {  	v59 =	vld [tilespmem:s17+$0xFFFFFFF0];
	[tilespmem:s18+$0x1450 ss:$0x41] =	vst.msk $0xffff, v3;
	s29 =	sor.u32 s21, s22;
	s21 =	smov.u32 s9;
	s22 =	sand.u32 s30, s9  }
0x4d: {  	v60 =	vld [tilespmem:s17+$0x0];
	[tilespmem:s18+$0x1860 ss:$0x41] =	vst.msk $0xffff, v2;
	s30 =	sand.u32 $0x7, s10;
	s20 =	sshrl.u32 s29, $0x7;
	s21 =	simm.s32 @!p1 $0xF41C0  }
0x4e: {  	v61 =	vld [tilespmem:s17+$0x10];
	[tilespmem:s18+$0x0 ss:$0x41] =	vst.msk $0xffff, v1;
	p1 =	sgt.s32 s10, $0x40;
	s24 =	ssub.s32 s21, s22;
	s21 =	smov.u32 s10  }
0x4f: {  	v62 =	vld [tilespmem:s17+$0x20];
	[tilespmem:s19+$0x1C70 ss:$0x41] =	vst.msk $0xffff, v0;
	s31 =	smulhi.u32 $0x218DEF5, s20;
	s22 =	sand.u32 s25, s10;
	s21 =	simm.s32 @!p1 $0x40  }
0x50: {  	v63 =	vld [tilespmem:s17+$0xFFFFFFC0];
	[tilespmem:s19+$0x410 ss:$0x41] =	vst.msk $0xffff, v5;
	s26 =	sadd.s32 $0xFFF0BE40, s24;
	s17 =	ssub.s32 $0xF4240, s24;
	s21 =	ssub.s32 s21, s22  }
0x51: {  	[tilespmem:s19+$0x820 ss:$0x41] =	vst.msk $0xffff, v58;
	s23 =	sshrl.u32 s31, $0xD;
	p1 =	sgt.s32 s26, $0x7F;
	s27 =	sadd.s32 $0xFFFFFFC0, s21  }
0x52: {  	[tilespmem:s19+$0xC30 ss:$0x41] =	vst.msk $0xffff, v59;
	s23 =	smul.u32 $0xF4240, s23;
	s18 =	ssub.s32 $0x80, s21;
	p2 =	sgt.s32 s27, $0x3F  }
.Ltmp4:
0x53: {  	[tilespmem:s19+$0x1040 ss:$0x41] =	vst.msk $0xffff, v60;
	s17 =	simm.s32 @p1 $0x0;
	s18 =	simm.s32 @p2 $0x0;
	(pc) =	sbr.rel .LBB1_5-.Ltmp4, $4  }
0x54: {  	s29 =	sand.u32 $0xF, s28;
	[tilespmem:s19+$0x1450 ss:$0x41] =	vst.msk $0xffff, v61;
	s20 =	ssub.s32 s20, s23;
	s17 =	smul.u32 s18, s17  }
0x55: {  	[tilespmem:s19+$0x1860 ss:$0x41] =	vst.msk $0xffff, v62;
	s21 =	sshll.u32 s30, $0x12;
	s20 =	sshll.u32 s20, $0x4;
	s18 =	sadd.s32 s5, s29  }
0x56: {  	[tilespmem:s19+$0x0 ss:$0x41] =	vst.msk $0xffff, v63;
	s31 =	sor.u32 $0x40, s21;
	s18 =	sadd.s32 s20, s18;
	s17 =	sand.u32 $0x3FFFFFFF, s17  }
0x57: {  	[hbm4b:s18+s31] =	stream.strided.scatter [tilespmem:s16], [sflag:$0x2], s17, s8, s31, $0x18;
	[tilespmem:$0x8100] =	vst v63  }
.LBB1_6:
0x58: {  	_ =	sfence.sel $0x180000  }
0x59: {  	s2 =	simm.s32 $0x1;
	[bflag:$0x0] =	sbarrier.arrive $0xFFFF  }
0x5a: {  	s31 =	simm.s32 $0x2;
	[sflag:s2] =	ssyncpa.u1 $0x1  }
0x5b: {  	[sflag:s31] =	ssyncpa.u1 $0x1  }
0x5c: {  	p0 =	sne.s32 s1, $0x0;
	_ =	strace $0x90000047  }
0x5d: {  	s0 =	sadd.s32 @!p0 $0x100000, s0;
	[bflag:$0x2] =	sbarrier.arrive $0xFFFF  }
0x5e: {  	[sflag:s0] =	ssyncadd.tile.s32 @!p0 $0x1;
	_ =	shalt  }
.Lfunc_end1:
_tile_overlayer_lowered:
.L_overlay_start_2:
0x5f: {  	(tag) =	ssettag $0x2  }
0x60: {  	s0 =	rddreg [dreg:$0x0];
	s2 =	stileid.u32  }
0x61: {  	s1 =	rddreg [dreg:$0x1];
	p0 =	sne.s32 s2, $0x0  }
0x62: {  	s3 =	rddreg [dreg:$0x2];
	[bflag:$0x3] =	sbarrier.arrive $0xFFFF;
	s2 =	simm.s32 @!p0 $0x1C01  }
0x63: {  	[timem:s3], [sflag:s2] =	dma.local @!p0 [hbm:s0], s1  }
0x64: {  	s0 =	simm.s32 @!p0 $0x1  }
0x65: {  	_ =	swait.ge @!p0 [sflag:s0], s1  }
0x66: {  	s1 =	ssub.s32 @!p0 $0x0, s1;
	[sflag:s0] =	ssyncset.done @!p0 $0x0  }
0x67: {  	[sflag:s0] =	ssyncadd.s32 @!p0 s1  }
0x68: {  	[bflag:$0x3] =	sbarrier.arrive $0xFFFF  }
0x69: {  	_ =	shalt  }

</sc_bundles>
